<compile_context>
chip_gen: v7x
topology: tpu7x:2x2x1
jax: 0.10.2.dev20260603
libtpu: 0.0.44.dev20260713+nightly
codegen_flags: <defaults>
</compile_context>

<pallas_src>
import functools

import jax
import jax.numpy as jnp
from jax import lax
from jax.experimental import pallas as pl
from jax.experimental.pallas import tpu as pltpu
from jax.experimental.pallas import tpu_sc as plsc

N_NODES = 10000
N_EDGES = 320000
D_FEAT = 128

NC = 2
NS = 16
NW = NC * NS

EPT = N_EDGES // NW
CHUNK = 128
NFULL = EPT // CHUNK
TAIL = EPT - NFULL * CHUNK
NBUF = 3

ROWS_PER_TILE = 624
ROWS_TAIL = N_NODES - NS * ROWS_PER_TILE


@functools.partial(
    pl.kernel,
    out_type=jax.ShapeDtypeStruct((NC * N_NODES, D_FEAT), jnp.float32),
    mesh=plsc.VectorSubcoreMesh(core_axis_name="c", subcore_axis_name="s"),
    scratch_types=[
        pltpu.VMEM_SHARED((N_NODES, D_FEAT), jnp.float32),
    ]
    + [pltpu.VMEM((CHUNK, D_FEAT), jnp.float32) for _ in range(NBUF)]
    + [pltpu.VMEM((CHUNK,), jnp.int32) for _ in range(NBUF)]
    + [pltpu.VMEM((CHUNK,), jnp.int32) for _ in range(NBUF)]
    + [
        pltpu.VMEM((TAIL,), jnp.int32),
        pltpu.SemaphoreType.DMA((NBUF,)),
        pltpu.SemaphoreType.DMA((NBUF,)),
        pltpu.SemaphoreType.DMA((NBUF,)),
        pltpu.SemaphoreType.DMA((NBUF,)),
    ],
)
def _gin_scatter_sc(feat_hbm, src_hbm, dst_hbm, out_hbm,
                    accum, rb0, rb1, rb2, si0, si1, si2, di0, di1, di2,
                    didx_tail, sem_g, sem_s, sem_si, sem_di):
    rows = [rb0, rb1, rb2]
    sidx = [si0, si1, si2]
    didx = [di0, di1, di2]
    c = lax.axis_index("c")
    s = lax.axis_index("s")
    wid = c * NS + s
    base = wid * EPT

    def fire_si(k, b):
        pltpu.async_copy(src_hbm.at[pl.ds(base + k * CHUNK, CHUNK)],
                         sidx[b], sem_si.at[b])

    def fire_di(k, b):
        pltpu.async_copy(dst_hbm.at[pl.ds(base + k * CHUNK, CHUNK)],
                         didx[b], sem_di.at[b])

    def fire_g(b):
        pltpu.async_copy(feat_hbm.at[sidx[b]], rows[b], sem_g.at[b])

    def wait_si(b):
        pltpu.make_async_copy(src_hbm.at[pl.ds(base, CHUNK)],
                              sidx[b], sem_si.at[b]).wait()

    def wait_di(b):
        pltpu.make_async_copy(dst_hbm.at[pl.ds(base, CHUNK)],
                              didx[b], sem_di.at[b]).wait()

    def wait_g(b):
        pltpu.make_async_copy(feat_hbm.at[sidx[b]],
                              rows[b], sem_g.at[b]).wait()

    def wait_s(b):
        pltpu.make_async_copy(rows[b], accum.at[pl.ds(0, CHUNK)],
                              sem_s.at[b]).wait()

    def step(k, b, *, wait_sprev, do_g, do_si, do_di):
        nb = (b + 2) % NBUF
        wait_g(b)
        if do_si:
            fire_si(k + NBUF, b)
        wait_di(b)
        pltpu.async_copy(rows[b], accum.at[didx[b]], sem_s.at[b], add=True)
        if wait_sprev:
            wait_s(nb)
        if do_di:
            fire_di(k + 2, nb)
        if do_g:
            wait_si(nb)
            fire_g(nb)

    for k in range(NBUF):
        fire_si(k, k)
    for k in range(2):
        fire_di(k, k)
    for k in range(2):
        wait_si(k)
        fire_g(k)

    r0 = s * ROWS_PER_TILE
    pltpu.sync_copy(feat_hbm.at[pl.ds(r0, ROWS_PER_TILE)],
                    accum.at[pl.ds(r0, ROWS_PER_TILE)])

    @pl.when(s == NS - 1)
    def _init_tail():
        t0 = NS * ROWS_PER_TILE
        pltpu.sync_copy(feat_hbm.at[pl.ds(t0, ROWS_TAIL)],
                        accum.at[pl.ds(t0, ROWS_TAIL)])

    plsc.subcore_barrier()

    step(0, 0, wait_sprev=False, do_g=True, do_si=True, do_di=True)
    step(1, 1, wait_sprev=True, do_g=True, do_si=True, do_di=True)
    step(2, 2, wait_sprev=True, do_g=True, do_si=True, do_di=True)

    @pl.loop(NBUF, NFULL - NBUF, step=NBUF)
    def _group(g):
        for b in range(NBUF):
            step(g + b, b, wait_sprev=True, do_g=True, do_si=True,
                 do_di=True)

    step(NFULL - 3, 0, wait_sprev=True, do_g=True, do_si=False, do_di=True)
    step(NFULL - 2, 1, wait_sprev=True, do_g=False, do_si=False, do_di=False)
    step(NFULL - 1, 2, wait_sprev=True, do_g=False, do_si=False, do_di=False)

    t_off = base + NFULL * CHUNK
    pltpu.sync_copy(src_hbm.at[pl.ds(t_off, TAIL)], si0.at[pl.ds(0, TAIL)])
    pltpu.sync_copy(dst_hbm.at[pl.ds(t_off, TAIL)], didx_tail)
    pltpu.async_copy(feat_hbm.at[si0.at[pl.ds(0, TAIL)]],
                     rb0.at[pl.ds(0, TAIL)], sem_g.at[0]).wait()
    pltpu.async_copy(rb0.at[pl.ds(0, TAIL)], accum.at[didx_tail],
                     sem_s.at[0], add=True)

    wait_s(2)
    pltpu.make_async_copy(rb0.at[pl.ds(0, TAIL)], accum.at[pl.ds(0, TAIL)],
                          sem_s.at[0]).wait()

    plsc.subcore_barrier()

    pltpu.sync_copy(accum.at[pl.ds(r0, ROWS_PER_TILE)],
                    out_hbm.at[pl.ds(c * N_NODES + r0, ROWS_PER_TILE)])

    @pl.when(s == NS - 1)
    def _out_tail():
        t0 = NS * ROWS_PER_TILE
        pltpu.sync_copy(accum.at[pl.ds(t0, ROWS_TAIL)],
                        out_hbm.at[pl.ds(c * N_NODES + t0, ROWS_TAIL)])


_COMBINE_BLOCK = 1000
_COMBINE_GRID = N_NODES // _COMBINE_BLOCK


def _combine_body(p0_ref, p1_ref, feat_ref, out_ref):
    out_ref[...] = p0_ref[...] + p1_ref[...] - feat_ref[...]


def _combine(partials, feat):
    return pl.pallas_call(
        _combine_body,
        grid=(_COMBINE_GRID,),
        in_specs=[
            pl.BlockSpec((_COMBINE_BLOCK, D_FEAT), lambda k: (k, 0)),
            pl.BlockSpec((_COMBINE_BLOCK, D_FEAT),
                         lambda k: (k + _COMBINE_GRID, 0)),
            pl.BlockSpec((_COMBINE_BLOCK, D_FEAT), lambda k: (k, 0)),
        ],
        out_specs=pl.BlockSpec((_COMBINE_BLOCK, D_FEAT), lambda k: (k, 0)),
        out_shape=jax.ShapeDtypeStruct((N_NODES, D_FEAT), jnp.float32),
    )(partials, partials, feat)


def kernel(feat, edge_index):
    src = edge_index[0]
    dst = edge_index[1]
    partials = _gin_scatter_sc(feat, src, dst)
    return _combine(partials, feat)

# --- scband reference (transcript-rebuilt; emitter-appended) ---
"""Pipeline reference for scband-ginconv-68917045231840 (READ-ONLY COPY).

The authoritative reference and input builder live on the scoring server;
editing this copy changes nothing except your own understanding.
"""

import jax, jax.numpy as jnp
import numpy as np

N_NODES = 10000
N_EDGES = 320000
D_FEAT = 128
EPS = 0.0


def setup_inputs(seed: int = 0) -> dict:
    key = jax.random.key(seed)
    k1, k2 = jax.random.split(key)
    feat = jax.random.normal(k1, (N_NODES, D_FEAT), dtype=jnp.float32)
    edge_index = jax.random.randint(k2, (2, N_EDGES), 0, N_NODES, dtype=jnp.int32)
    return {"feat": feat, "edge_index": edge_index}


def reference(feat, edge_index):
    # GINConv with sum aggregator, apply_func=None, eps=0 (buffer, not learned).
    # Single-chip case: n_nodes == local_n_nodes, so allgather/pad/slice are identity.
    src = edge_index[0]
    dst = edge_index[1]
    # message: copy_u('h','m') -> gather source features per edge
    m = jnp.take(feat, src, axis=0)
    # reduce: fn.sum('m','neigh') -> scatter-add onto destination nodes
    neigh = jax.ops.segment_sum(m, dst, num_segments=N_NODES)
    rst = (1.0 + EPS) * feat + neigh
    return rst

if __name__ == "__main__":
    import jax
    _d = setup_inputs()
    print(jax.jit(kernel)(*tuple(_d.values())))

</pallas_src>

<mosaic_0001>
#map = affine_map<(d0, d1) -> (0, 0)>
#map1 = affine_map<(d0, d1) -> (0)>
module attributes {stable_mosaic.version = 14 : i64} {
  func.func @_gin_scatter_sc(%arg0: i32, %arg1: i32, %arg2: memref<10000x128xf32, #tpu.memory_space<hbm>>, %arg3: memref<320000xi32, #tpu.memory_space<hbm>>, %arg4: memref<320000xi32, #tpu.memory_space<hbm>>, %arg5: memref<20000x128xf32, #tpu.memory_space<hbm>>, %arg6: memref<10000x128xf32, #tpu.memory_space<vmem_shared>>, %arg7: memref<128x128xf32, #tpu.memory_space<vmem>>, %arg8: memref<128x128xf32, #tpu.memory_space<vmem>>, %arg9: memref<128x128xf32, #tpu.memory_space<vmem>>, %arg10: memref<128xi32, #tpu.memory_space<vmem>>, %arg11: memref<128xi32, #tpu.memory_space<vmem>>, %arg12: memref<128xi32, #tpu.memory_space<vmem>>, %arg13: memref<128xi32, #tpu.memory_space<vmem>>, %arg14: memref<128xi32, #tpu.memory_space<vmem>>, %arg15: memref<128xi32, #tpu.memory_space<vmem>>, %arg16: memref<16xi32, #tpu.memory_space<vmem>>, %arg17: memref<3x!tpu.dma_semaphore, #tpu.memory_space<semaphore_mem>>, %arg18: memref<3x!tpu.dma_semaphore, #tpu.memory_space<semaphore_mem>>, %arg19: memref<3x!tpu.dma_semaphore, #tpu.memory_space<semaphore_mem>>, %arg20: memref<3x!tpu.dma_semaphore, #tpu.memory_space<semaphore_mem>>) attributes {dimension_semantics = [#tpu.dimension_semantics<core_parallel>, #tpu.dimension_semantics<subcore_parallel>], iteration_bounds = array<i64: 2, 16>, scalar_prefetch = 0 : i64, scratch_operands = 15 : i64, tpu.core_type = #tpu.core_type<sc_vector_subcore>, window_params = [{transform_indices = #map}, {transform_indices = #map1}, {transform_indices = #map1}, {transform_indices = #map}]} {
    %mul3A = arith.constant 16 : i32
    %mul3A_0 = arith.muli %arg0, %mul3A : i32
    %add3A = arith.addi %mul3A_0, %arg1 : i32
    %mul3A_1 = arith.constant 10000 : i32
    %mul3A_2 = arith.muli %add3A, %mul3A_1 : i32
    %add3A_3 = arith.constant 0 : i32
    %add3A_4 = arith.addi %mul3A_2, %add3A_3 : i32
    %dma_start3A = arith.constant 0 : i32
    %dma_start3A_5 = tpu.memref_slice %arg3[%add3A_4] : memref<320000xi32, #tpu.memory_space<hbm>> -> memref<128xi32, #tpu.memory_space<hbm>>
    %dma_start3A_6 = tpu.memref_slice %arg19[%dma_start3A] : memref<3x!tpu.dma_semaphore, #tpu.memory_space<semaphore_mem>> -> memref<1x!tpu.dma_semaphore, #tpu.memory_space<semaphore_mem>>
    %dma_start3A_7 = tpu.memref_squeeze %dma_start3A_6 : memref<1x!tpu.dma_semaphore, #tpu.memory_space<semaphore_mem>> -> memref<!tpu.dma_semaphore, #tpu.memory_space<semaphore_mem>>
    %dma_start3A_8 = tpu.memref_slice %arg3[%add3A_4] : memref<320000xi32, #tpu.memory_space<hbm>> -> memref<128xi32, #tpu.memory_space<hbm>>
    tpu.enqueue_dma source(%dma_start3A_8 : memref<128xi32, #tpu.memory_space<hbm>>) target(%arg10 : memref<128xi32, #tpu.memory_space<vmem>>) target_semaphore(%dma_start3A_7 : memref<!tpu.dma_semaphore, #tpu.memory_space<semaphore_mem>>)
    %add3A_9 = arith.constant 128 : i32
    %add3A_10 = arith.addi %mul3A_2, %add3A_9 : i32
    %dma_start3A_11 = arith.constant 1 : i32
    %dma_start3A_12 = tpu.memref_slice %arg3[%add3A_10] : memref<320000xi32, #tpu.memory_space<hbm>> -> memref<128xi32, #tpu.memory_space<hbm>>
    %dma_start3A_13 = tpu.memref_slice %arg19[%dma_start3A_11] : memref<3x!tpu.dma_semaphore, #tpu.memory_space<semaphore_mem>> -> memref<1x!tpu.dma_semaphore, #tpu.memory_space<semaphore_mem>>
    %dma_start3A_14 = tpu.memref_squeeze %dma_start3A_13 : memref<1x!tpu.dma_semaphore, #tpu.memory_space<semaphore_mem>> -> memref<!tpu.dma_semaphore, #tpu.memory_space<semaphore_mem>>
    %dma_start3A_15 = tpu.memref_slice %arg3[%add3A_10] : memref<320000xi32, #tpu.memory_space<hbm>> -> memref<128xi32, #tpu.memory_space<hbm>>
    tpu.enqueue_dma source(%dma_start3A_15 : memref<128xi32, #tpu.memory_space<hbm>>) target(%arg11 : memref<128xi32, #tpu.memory_space<vmem>>) target_semaphore(%dma_start3A_14 : memref<!tpu.dma_semaphore, #tpu.memory_space<semaphore_mem>>)
    %add3A_16 = arith.constant 256 : i32
    %add3A_17 = arith.addi %mul3A_2, %add3A_16 : i32
    %dma_start3A_18 = arith.constant 2 : i32
    %dma_start3A_19 = tpu.memref_slice %arg3[%add3A_17] : memref<320000xi32, #tpu.memory_space<hbm>> -> memref<128xi32, #tpu.memory_space<hbm>>
    %dma_start3A_20 = tpu.memref_slice %arg19[%dma_start3A_18] : memref<3x!tpu.dma_semaphore, #tpu.memory_space<semaphore_mem>> -> memref<1x!tpu.dma_semaphore, #tpu.memory_space<semaphore_mem>>
    %dma_start3A_21 = tpu.memref_squeeze %dma_start3A_20 : memref<1x!tpu.dma_semaphore, #tpu.memory_space<semaphore_mem>> -> memref<!tpu.dma_semaphore, #tpu.memory_space<semaphore_mem>>
    %dma_start3A_22 = tpu.memref_slice %arg3[%add3A_17] : memref<320000xi32, #tpu.memory_space<hbm>> -> memref<128xi32, #tpu.memory_space<hbm>>
    tpu.enqueue_dma source(%dma_start3A_22 : memref<128xi32, #tpu.memory_space<hbm>>) target(%arg12 : memref<128xi32, #tpu.memory_space<vmem>>) target_semaphore(%dma_start3A_21 : memref<!tpu.dma_semaphore, #tpu.memory_space<semaphore_mem>>)
    %add3A_23 = arith.constant 0 : i32
    %add3A_24 = arith.addi %mul3A_2, %add3A_23 : i32
    %dma_start3A_25 = arith.constant 0 : i32
    %dma_start3A_26 = tpu.memref_slice %arg4[%add3A_24] : memref<320000xi32, #tpu.memory_space<hbm>> -> memref<128xi32, #tpu.memory_space<hbm>>
    %dma_start3A_27 = tpu.memref_slice %arg20[%dma_start3A_25] : memref<3x!tpu.dma_semaphore, #tpu.memory_space<semaphore_mem>> -> memref<1x!tpu.dma_semaphore, #tpu.memory_space<semaphore_mem>>
    %dma_start3A_28 = tpu.memref_squeeze %dma_start3A_27 : memref<1x!tpu.dma_semaphore, #tpu.memory_space<semaphore_mem>> -> memref<!tpu.dma_semaphore, #tpu.memory_space<semaphore_mem>>
    %dma_start3A_29 = tpu.memref_slice %arg4[%add3A_24] : memref<320000xi32, #tpu.memory_space<hbm>> -> memref<128xi32, #tpu.memory_space<hbm>>
    tpu.enqueue_dma source(%dma_start3A_29 : memref<128xi32, #tpu.memory_space<hbm>>) target(%arg13 : memref<128xi32, #tpu.memory_space<vmem>>) target_semaphore(%dma_start3A_28 : memref<!tpu.dma_semaphore, #tpu.memory_space<semaphore_mem>>)
    %add3A_30 = arith.constant 128 : i32
    %add3A_31 = arith.addi %mul3A_2, %add3A_30 : i32
    %dma_start3A_32 = arith.constant 1 : i32
    %dma_start3A_33 = tpu.memref_slice %arg4[%add3A_31] : memref<320000xi32, #tpu.memory_space<hbm>> -> memref<128xi32, #tpu.memory_space<hbm>>
    %dma_start3A_34 = tpu.memref_slice %arg20[%dma_start3A_32] : memref<3x!tpu.dma_semaphore, #tpu.memory_space<semaphore_mem>> -> memref<1x!tpu.dma_semaphore, #tpu.memory_space<semaphore_mem>>
    %dma_start3A_35 = tpu.memref_squeeze %dma_start3A_34 : memref<1x!tpu.dma_semaphore, #tpu.memory_space<semaphore_mem>> -> memref<!tpu.dma_semaphore, #tpu.memory_space<semaphore_mem>>
    %dma_start3A_36 = tpu.memref_slice %arg4[%add3A_31] : memref<320000xi32, #tpu.memory_space<hbm>> -> memref<128xi32, #tpu.memory_space<hbm>>
    tpu.enqueue_dma source(%dma_start3A_36 : memref<128xi32, #tpu.memory_space<hbm>>) target(%arg14 : memref<128xi32, #tpu.memory_space<vmem>>) target_semaphore(%dma_start3A_35 : memref<!tpu.dma_semaphore, #tpu.memory_space<semaphore_mem>>)
    %dma_wait3A = arith.constant 0 : i32
    %dma_wait3A_37 = tpu.memref_slice %arg3[%mul3A_2] : memref<320000xi32, #tpu.memory_space<hbm>> -> memref<128xi32, #tpu.memory_space<hbm>>
    %dma_wait3A_38 = tpu.memref_slice %arg19[%dma_wait3A] : memref<3x!tpu.dma_semaphore, #tpu.memory_space<semaphore_mem>> -> memref<1x!tpu.dma_semaphore, #tpu.memory_space<semaphore_mem>>
    %dma_wait3A_39 = tpu.memref_squeeze %dma_wait3A_38 : memref<1x!tpu.dma_semaphore, #tpu.memory_space<semaphore_mem>> -> memref<!tpu.dma_semaphore, #tpu.memory_space<semaphore_mem>>
    %dma_wait3A_40 = tpu.memref_slice %arg3[%mul3A_2] : memref<320000xi32, #tpu.memory_space<hbm>> -> memref<128xi32, #tpu.memory_space<hbm>>
    tpu.wait_dma2 semaphore(%dma_wait3A_39 : memref<!tpu.dma_semaphore, #tpu.memory_space<semaphore_mem>>) src(%dma_wait3A_40 : memref<128xi32, #tpu.memory_space<hbm>>) dst(%arg10 : memref<128xi32, #tpu.memory_space<vmem>>)
    %dma_start3A_41 = arith.constant 0 : i32
    %dma_start3A_42 = arith.constant 0 : i32
    %dma_start3A_43 = arith.constant 0 : i32
    %dma_start3A_44 = tpu.memref_slice %arg2[%dma_start3A_42, %dma_start3A_43] : memref<10000x128xf32, #tpu.memory_space<hbm>> -> memref<10000x128xf32, #tpu.memory_space<hbm>>
    %dma_start3A_45 = tpu.memref_slice %arg17[%dma_start3A_41] : memref<3x!tpu.dma_semaphore, #tpu.memory_space<semaphore_mem>> -> memref<1x!tpu.dma_semaphore, #tpu.memory_space<semaphore_mem>>
    %dma_start3A_46 = tpu.memref_squeeze %dma_start3A_45 : memref<1x!tpu.dma_semaphore, #tpu.memory_space<semaphore_mem>> -> memref<!tpu.dma_semaphore, #tpu.memory_space<semaphore_mem>>
    tpu.enqueue_indirect_dma source(%dma_start3A_44 : memref<10000x128xf32, #tpu.memory_space<hbm>>) target(%arg7 : memref<128x128xf32, #tpu.memory_space<vmem>>) offsets(%arg10 : memref<128xi32, #tpu.memory_space<vmem>>) semaphore(%dma_start3A_46 : memref<!tpu.dma_semaphore, #tpu.memory_space<semaphore_mem>>)
    %dma_wait3A_47 = arith.constant 1 : i32
    %dma_wait3A_48 = tpu.memref_slice %arg3[%mul3A_2] : memref<320000xi32, #tpu.memory_space<hbm>> -> memref<128xi32, #tpu.memory_space<hbm>>
    %dma_wait3A_49 = tpu.memref_slice %arg19[%dma_wait3A_47] : memref<3x!tpu.dma_semaphore, #tpu.memory_space<semaphore_mem>> -> memref<1x!tpu.dma_semaphore, #tpu.memory_space<semaphore_mem>>
    %dma_wait3A_50 = tpu.memref_squeeze %dma_wait3A_49 : memref<1x!tpu.dma_semaphore, #tpu.memory_space<semaphore_mem>> -> memref<!tpu.dma_semaphore, #tpu.memory_space<semaphore_mem>>
    %dma_wait3A_51 = tpu.memref_slice %arg3[%mul3A_2] : memref<320000xi32, #tpu.memory_space<hbm>> -> memref<128xi32, #tpu.memory_space<hbm>>
    tpu.wait_dma2 semaphore(%dma_wait3A_50 : memref<!tpu.dma_semaphore, #tpu.memory_space<semaphore_mem>>) src(%dma_wait3A_51 : memref<128xi32, #tpu.memory_space<hbm>>) dst(%arg11 : memref<128xi32, #tpu.memory_space<vmem>>)
    %dma_start3A_52 = arith.constant 1 : i32
    %dma_start3A_53 = arith.constant 0 : i32
    %dma_start3A_54 = arith.constant 0 : i32
    %dma_start3A_55 = tpu.memref_slice %arg2[%dma_start3A_53, %dma_start3A_54] : memref<10000x128xf32, #tpu.memory_space<hbm>> -> memref<10000x128xf32, #tpu.memory_space<hbm>>
    %dma_start3A_56 = tpu.memref_slice %arg17[%dma_start3A_52] : memref<3x!tpu.dma_semaphore, #tpu.memory_space<semaphore_mem>> -> memref<1x!tpu.dma_semaphore, #tpu.memory_space<semaphore_mem>>
    %dma_start3A_57 = tpu.memref_squeeze %dma_start3A_56 : memref<1x!tpu.dma_semaphore, #tpu.memory_space<semaphore_mem>> -> memref<!tpu.dma_semaphore, #tpu.memory_space<semaphore_mem>>
    tpu.enqueue_indirect_dma source(%dma_start3A_55 : memref<10000x128xf32, #tpu.memory_space<hbm>>) target(%arg8 : memref<128x128xf32, #tpu.memory_space<vmem>>) offsets(%arg11 : memref<128xi32, #tpu.memory_space<vmem>>) semaphore(%dma_start3A_57 : memref<!tpu.dma_semaphore, #tpu.memory_space<semaphore_mem>>)
    %mul3A_58 = arith.constant 624 : i32
    %mul3A_59 = arith.muli %arg1, %mul3A_58 : i32
    "tpu.region"() ({
      %run_scoped3A = tpu.sem_alloc : memref<!tpu.dma_semaphore, #tpu.memory_space<semaphore_mem>>
      %dma_start3A_372 = arith.constant 0 : i32
      %dma_start3A_373 = tpu.memref_slice %arg6[%mul3A_59, %dma_start3A_372] : memref<10000x128xf32, #tpu.memory_space<vmem_shared>> -> memref<624x128xf32, #tpu.memory_space<vmem_shared>>
      %dma_start3A_374 = arith.constant 0 : i32
      %dma_start3A_375 = tpu.memref_slice %arg2[%mul3A_59, %dma_start3A_374] : memref<10000x128xf32, #tpu.memory_space<hbm>> -> memref<624x128xf32, #tpu.memory_space<hbm>>
      tpu.enqueue_dma source(%dma_start3A_375 : memref<624x128xf32, #tpu.memory_space<hbm>>) target(%dma_start3A_373 : memref<624x128xf32, #tpu.memory_space<vmem_shared>>) target_semaphore(%run_scoped3A : memref<!tpu.dma_semaphore, #tpu.memory_space<semaphore_mem>>)
      %dma_wait3A_376 = arith.constant 0 : i32
      %dma_wait3A_377 = tpu.memref_slice %arg6[%mul3A_59, %dma_wait3A_376] : memref<10000x128xf32, #tpu.memory_space<vmem_shared>> -> memref<624x128xf32, #tpu.memory_space<vmem_shared>>
      %dma_wait3A_378 = arith.constant 0 : i32
      %dma_wait3A_379 = tpu.memref_slice %arg2[%mul3A_59, %dma_wait3A_378] : memref<10000x128xf32, #tpu.memory_space<hbm>> -> memref<624x128xf32, #tpu.memory_space<hbm>>
      tpu.wait_dma2 semaphore(%run_scoped3A : memref<!tpu.dma_semaphore, #tpu.memory_space<semaphore_mem>>) src(%dma_wait3A_379 : memref<624x128xf32, #tpu.memory_space<hbm>>) dst(%dma_wait3A_377 : memref<624x128xf32, #tpu.memory_space<vmem_shared>>)
      tpu.yield
    }) : () -> ()
    %eq3A = arith.constant 15 : i32
    %eq3A_60 = arith.cmpi eq, %arg1, %eq3A : i32
    %convert_element_type3A = arith.extui %eq3A_60 : i1 to i32
    %cond3A = arith.constant 0 : i32
    %cond3A_61 = arith.cmpi ne, %convert_element_type3A, %cond3A : i32
    scf.if %cond3A_61 {
      "tpu.region"() ({
        %run_scoped3A = tpu.sem_alloc : memref<!tpu.dma_semaphore, #tpu.memory_space<semaphore_mem>>
        %dma_start3A_372 = arith.constant 9984 : i32
        %dma_start3A_373 = arith.constant 0 : i32
        %dma_start3A_374 = tpu.memref_slice %arg6[%dma_start3A_372, %dma_start3A_373] : memref<10000x128xf32, #tpu.memory_space<vmem_shared>> -> memref<16x128xf32, #tpu.memory_space<vmem_shared>>
        %dma_start3A_375 = arith.constant 9984 : i32
        %dma_start3A_376 = arith.constant 0 : i32
        %dma_start3A_377 = tpu.memref_slice %arg2[%dma_start3A_375, %dma_start3A_376] : memref<10000x128xf32, #tpu.memory_space<hbm>> -> memref<16x128xf32, #tpu.memory_space<hbm>>
        tpu.enqueue_dma source(%dma_start3A_377 : memref<16x128xf32, #tpu.memory_space<hbm>>) target(%dma_start3A_374 : memref<16x128xf32, #tpu.memory_space<vmem_shared>>) target_semaphore(%run_scoped3A : memref<!tpu.dma_semaphore, #tpu.memory_space<semaphore_mem>>)
        %dma_wait3A_378 = arith.constant 9984 : i32
        %dma_wait3A_379 = arith.constant 0 : i32
        %dma_wait3A_380 = tpu.memref_slice %arg6[%dma_wait3A_378, %dma_wait3A_379] : memref<10000x128xf32, #tpu.memory_space<vmem_shared>> -> memref<16x128xf32, #tpu.memory_space<vmem_shared>>
        %dma_wait3A_381 = arith.constant 9984 : i32
        %dma_wait3A_382 = arith.constant 0 : i32
        %dma_wait3A_383 = tpu.memref_slice %arg2[%dma_wait3A_381, %dma_wait3A_382] : memref<10000x128xf32, #tpu.memory_space<hbm>> -> memref<16x128xf32, #tpu.memory_space<hbm>>
        tpu.wait_dma2 semaphore(%run_scoped3A : memref<!tpu.dma_semaphore, #tpu.memory_space<semaphore_mem>>) src(%dma_wait3A_383 : memref<16x128xf32, #tpu.memory_space<hbm>>) dst(%dma_wait3A_380 : memref<16x128xf32, #tpu.memory_space<vmem_shared>>)
        tpu.yield
      }) : () -> ()
    } else {
    }
    %barrier3A = arith.constant 0 : index
    tpu.barrier barrier_id(%barrier3A)
    %dma_wait3A_62 = arith.constant 0 : i32
    %dma_wait3A_63 = arith.constant 0 : i32
    %dma_wait3A_64 = arith.constant 0 : i32
    %dma_wait3A_65 = tpu.memref_slice %arg2[%dma_wait3A_63, %dma_wait3A_64] : memref<10000x128xf32, #tpu.memory_space<hbm>> -> memref<10000x128xf32, #tpu.memory_space<hbm>>
    %dma_wait3A_66 = tpu.memref_slice %arg17[%dma_wait3A_62] : memref<3x!tpu.dma_semaphore, #tpu.memory_space<semaphore_mem>> -> memref<1x!tpu.dma_semaphore, #tpu.memory_space<semaphore_mem>>
    %dma_wait3A_67 = tpu.memref_squeeze %dma_wait3A_66 : memref<1x!tpu.dma_semaphore, #tpu.memory_space<semaphore_mem>> -> memref<!tpu.dma_semaphore, #tpu.memory_space<semaphore_mem>>
    tpu.wait_indirect_dma semaphore(%dma_wait3A_67 : memref<!tpu.dma_semaphore, #tpu.memory_space<semaphore_mem>>) src(%dma_wait3A_65 : memref<10000x128xf32, #tpu.memory_space<hbm>>) dst(%arg7 : memref<128x128xf32, #tpu.memory_space<vmem>>)
    %add3A_68 = arith.constant 384 : i32
    %add3A_69 = arith.addi %mul3A_2, %add3A_68 : i32
    %dma_start3A_70 = arith.constant 0 : i32
    %dma_start3A_71 = tpu.memref_slice %arg3[%add3A_69] : memref<320000xi32, #tpu.memory_space<hbm>> -> memref<128xi32, #tpu.memory_space<hbm>>
    %dma_start3A_72 = tpu.memref_slice %arg19[%dma_start3A_70] : memref<3x!tpu.dma_semaphore, #tpu.memory_space<semaphore_mem>> -> memref<1x!tpu.dma_semaphore, #tpu.memory_space<semaphore_mem>>
    %dma_start3A_73 = tpu.memref_squeeze %dma_start3A_72 : memref<1x!tpu.dma_semaphore, #tpu.memory_space<semaphore_mem>> -> memref<!tpu.dma_semaphore, #tpu.memory_space<semaphore_mem>>
    %dma_start3A_74 = tpu.memref_slice %arg3[%add3A_69] : memref<320000xi32, #tpu.memory_space<hbm>> -> memref<128xi32, #tpu.memory_space<hbm>>
    tpu.enqueue_dma source(%dma_start3A_74 : memref<128xi32, #tpu.memory_space<hbm>>) target(%arg10 : memref<128xi32, #tpu.memory_space<vmem>>) target_semaphore(%dma_start3A_73 : memref<!tpu.dma_semaphore, #tpu.memory_space<semaphore_mem>>)
    %dma_wait3A_75 = arith.constant 0 : i32
    %dma_wait3A_76 = tpu.memref_slice %arg4[%mul3A_2] : memref<320000xi32, #tpu.memory_space<hbm>> -> memref<128xi32, #tpu.memory_space<hbm>>
    %dma_wait3A_77 = tpu.memref_slice %arg20[%dma_wait3A_75] : memref<3x!tpu.dma_semaphore, #tpu.memory_space<semaphore_mem>> -> memref<1x!tpu.dma_semaphore, #tpu.memory_space<semaphore_mem>>
    %dma_wait3A_78 = tpu.memref_squeeze %dma_wait3A_77 : memref<1x!tpu.dma_semaphore, #tpu.memory_space<semaphore_mem>> -> memref<!tpu.dma_semaphore, #tpu.memory_space<semaphore_mem>>
    %dma_wait3A_79 = tpu.memref_slice %arg4[%mul3A_2] : memref<320000xi32, #tpu.memory_space<hbm>> -> memref<128xi32, #tpu.memory_space<hbm>>
    tpu.wait_dma2 semaphore(%dma_wait3A_78 : memref<!tpu.dma_semaphore, #tpu.memory_space<semaphore_mem>>) src(%dma_wait3A_79 : memref<128xi32, #tpu.memory_space<hbm>>) dst(%arg13 : memref<128xi32, #tpu.memory_space<vmem>>)
    %dma_start3A_80 = arith.constant 0 : i32
    %dma_start3A_81 = arith.constant 0 : i32
    %dma_start3A_82 = arith.constant 0 : i32
    %dma_start3A_83 = tpu.memref_slice %arg6[%dma_start3A_81, %dma_start3A_82] : memref<10000x128xf32, #tpu.memory_space<vmem_shared>> -> memref<10000x128xf32, #tpu.memory_space<vmem_shared>>
    %dma_start3A_84 = tpu.memref_slice %arg18[%dma_start3A_80] : memref<3x!tpu.dma_semaphore, #tpu.memory_space<semaphore_mem>> -> memref<1x!tpu.dma_semaphore, #tpu.memory_space<semaphore_mem>>
    %dma_start3A_85 = tpu.memref_squeeze %dma_start3A_84 : memref<1x!tpu.dma_semaphore, #tpu.memory_space<semaphore_mem>> -> memref<!tpu.dma_semaphore, #tpu.memory_space<semaphore_mem>>
    tpu.enqueue_indirect_dma source(%arg7 : memref<128x128xf32, #tpu.memory_space<vmem>>) target(%dma_start3A_83 : memref<10000x128xf32, #tpu.memory_space<vmem_shared>>) offsets(%arg13 : memref<128xi32, #tpu.memory_space<vmem>>) semaphore(%dma_start3A_85 : memref<!tpu.dma_semaphore, #tpu.memory_space<semaphore_mem>>) {add = true}
    %add3A_86 = arith.constant 256 : i32
    %add3A_87 = arith.addi %mul3A_2, %add3A_86 : i32
    %dma_start3A_88 = arith.constant 2 : i32
    %dma_start3A_89 = tpu.memref_slice %arg4[%add3A_87] : memref<320000xi32, #tpu.memory_space<hbm>> -> memref<128xi32, #tpu.memory_space<hbm>>
    %dma_start3A_90 = tpu.memref_slice %arg20[%dma_start3A_88] : memref<3x!tpu.dma_semaphore, #tpu.memory_space<semaphore_mem>> -> memref<1x!tpu.dma_semaphore, #tpu.memory_space<semaphore_mem>>
    %dma_start3A_91 = tpu.memref_squeeze %dma_start3A_90 : memref<1x!tpu.dma_semaphore, #tpu.memory_space<semaphore_mem>> -> memref<!tpu.dma_semaphore, #tpu.memory_space<semaphore_mem>>
    %dma_start3A_92 = tpu.memref_slice %arg4[%add3A_87] : memref<320000xi32, #tpu.memory_space<hbm>> -> memref<128xi32, #tpu.memory_space<hbm>>
    tpu.enqueue_dma source(%dma_start3A_92 : memref<128xi32, #tpu.memory_space<hbm>>) target(%arg15 : memref<128xi32, #tpu.memory_space<vmem>>) target_semaphore(%dma_start3A_91 : memref<!tpu.dma_semaphore, #tpu.memory_space<semaphore_mem>>)
    %dma_wait3A_93 = arith.constant 2 : i32
    %dma_wait3A_94 = tpu.memref_slice %arg3[%mul3A_2] : memref<320000xi32, #tpu.memory_space<hbm>> -> memref<128xi32, #tpu.memory_space<hbm>>
    %dma_wait3A_95 = tpu.memref_slice %arg19[%dma_wait3A_93] : memref<3x!tpu.dma_semaphore, #tpu.memory_space<semaphore_mem>> -> memref<1x!tpu.dma_semaphore, #tpu.memory_space<semaphore_mem>>
    %dma_wait3A_96 = tpu.memref_squeeze %dma_wait3A_95 : memref<1x!tpu.dma_semaphore, #tpu.memory_space<semaphore_mem>> -> memref<!tpu.dma_semaphore, #tpu.memory_space<semaphore_mem>>
    %dma_wait3A_97 = tpu.memref_slice %arg3[%mul3A_2] : memref<320000xi32, #tpu.memory_space<hbm>> -> memref<128xi32, #tpu.memory_space<hbm>>
    tpu.wait_dma2 semaphore(%dma_wait3A_96 : memref<!tpu.dma_semaphore, #tpu.memory_space<semaphore_mem>>) src(%dma_wait3A_97 : memref<128xi32, #tpu.memory_space<hbm>>) dst(%arg12 : memref<128xi32, #tpu.memory_space<vmem>>)
    %dma_start3A_98 = arith.constant 2 : i32
    %dma_start3A_99 = arith.constant 0 : i32
    %dma_start3A_100 = arith.constant 0 : i32
    %dma_start3A_101 = tpu.memref_slice %arg2[%dma_start3A_99, %dma_start3A_100] : memref<10000x128xf32, #tpu.memory_space<hbm>> -> memref<10000x128xf32, #tpu.memory_space<hbm>>
    %dma_start3A_102 = tpu.memref_slice %arg17[%dma_start3A_98] : memref<3x!tpu.dma_semaphore, #tpu.memory_space<semaphore_mem>> -> memref<1x!tpu.dma_semaphore, #tpu.memory_space<semaphore_mem>>
    %dma_start3A_103 = tpu.memref_squeeze %dma_start3A_102 : memref<1x!tpu.dma_semaphore, #tpu.memory_space<semaphore_mem>> -> memref<!tpu.dma_semaphore, #tpu.memory_space<semaphore_mem>>
    tpu.enqueue_indirect_dma source(%dma_start3A_101 : memref<10000x128xf32, #tpu.memory_space<hbm>>) target(%arg9 : memref<128x128xf32, #tpu.memory_space<vmem>>) offsets(%arg12 : memref<128xi32, #tpu.memory_space<vmem>>) semaphore(%dma_start3A_103 : memref<!tpu.dma_semaphore, #tpu.memory_space<semaphore_mem>>)
    %dma_wait3A_104 = arith.constant 1 : i32
    %dma_wait3A_105 = arith.constant 0 : i32
    %dma_wait3A_106 = arith.constant 0 : i32
    %dma_wait3A_107 = tpu.memref_slice %arg2[%dma_wait3A_105, %dma_wait3A_106] : memref<10000x128xf32, #tpu.memory_space<hbm>> -> memref<10000x128xf32, #tpu.memory_space<hbm>>
    %dma_wait3A_108 = tpu.memref_slice %arg17[%dma_wait3A_104] : memref<3x!tpu.dma_semaphore, #tpu.memory_space<semaphore_mem>> -> memref<1x!tpu.dma_semaphore, #tpu.memory_space<semaphore_mem>>
    %dma_wait3A_109 = tpu.memref_squeeze %dma_wait3A_108 : memref<1x!tpu.dma_semaphore, #tpu.memory_space<semaphore_mem>> -> memref<!tpu.dma_semaphore, #tpu.memory_space<semaphore_mem>>
    tpu.wait_indirect_dma semaphore(%dma_wait3A_109 : memref<!tpu.dma_semaphore, #tpu.memory_space<semaphore_mem>>) src(%dma_wait3A_107 : memref<10000x128xf32, #tpu.memory_space<hbm>>) dst(%arg8 : memref<128x128xf32, #tpu.memory_space<vmem>>)
    %add3A_110 = arith.constant 512 : i32
    %add3A_111 = arith.addi %mul3A_2, %add3A_110 : i32
    %dma_start3A_112 = arith.constant 1 : i32
    %dma_start3A_113 = tpu.memref_slice %arg3[%add3A_111] : memref<320000xi32, #tpu.memory_space<hbm>> -> memref<128xi32, #tpu.memory_space<hbm>>
    %dma_start3A_114 = tpu.memref_slice %arg19[%dma_start3A_112] : memref<3x!tpu.dma_semaphore, #tpu.memory_space<semaphore_mem>> -> memref<1x!tpu.dma_semaphore, #tpu.memory_space<semaphore_mem>>
    %dma_start3A_115 = tpu.memref_squeeze %dma_start3A_114 : memref<1x!tpu.dma_semaphore, #tpu.memory_space<semaphore_mem>> -> memref<!tpu.dma_semaphore, #tpu.memory_space<semaphore_mem>>
    %dma_start3A_116 = tpu.memref_slice %arg3[%add3A_111] : memref<320000xi32, #tpu.memory_space<hbm>> -> memref<128xi32, #tpu.memory_space<hbm>>
    tpu.enqueue_dma source(%dma_start3A_116 : memref<128xi32, #tpu.memory_space<hbm>>) target(%arg11 : memref<128xi32, #tpu.memory_space<vmem>>) target_semaphore(%dma_start3A_115 : memref<!tpu.dma_semaphore, #tpu.memory_space<semaphore_mem>>)
    %dma_wait3A_117 = arith.constant 1 : i32
    %dma_wait3A_118 = tpu.memref_slice %arg4[%mul3A_2] : memref<320000xi32, #tpu.memory_space<hbm>> -> memref<128xi32, #tpu.memory_space<hbm>>
    %dma_wait3A_119 = tpu.memref_slice %arg20[%dma_wait3A_117] : memref<3x!tpu.dma_semaphore, #tpu.memory_space<semaphore_mem>> -> memref<1x!tpu.dma_semaphore, #tpu.memory_space<semaphore_mem>>
    %dma_wait3A_120 = tpu.memref_squeeze %dma_wait3A_119 : memref<1x!tpu.dma_semaphore, #tpu.memory_space<semaphore_mem>> -> memref<!tpu.dma_semaphore, #tpu.memory_space<semaphore_mem>>
    %dma_wait3A_121 = tpu.memref_slice %arg4[%mul3A_2] : memref<320000xi32, #tpu.memory_space<hbm>> -> memref<128xi32, #tpu.memory_space<hbm>>
    tpu.wait_dma2 semaphore(%dma_wait3A_120 : memref<!tpu.dma_semaphore, #tpu.memory_space<semaphore_mem>>) src(%dma_wait3A_121 : memref<128xi32, #tpu.memory_space<hbm>>) dst(%arg14 : memref<128xi32, #tpu.memory_space<vmem>>)
    %dma_start3A_122 = arith.constant 1 : i32
    %dma_start3A_123 = arith.constant 0 : i32
    %dma_start3A_124 = arith.constant 0 : i32
    %dma_start3A_125 = tpu.memref_slice %arg6[%dma_start3A_123, %dma_start3A_124] : memref<10000x128xf32, #tpu.memory_space<vmem_shared>> -> memref<10000x128xf32, #tpu.memory_space<vmem_shared>>
    %dma_start3A_126 = tpu.memref_slice %arg18[%dma_start3A_122] : memref<3x!tpu.dma_semaphore, #tpu.memory_space<semaphore_mem>> -> memref<1x!tpu.dma_semaphore, #tpu.memory_space<semaphore_mem>>
    %dma_start3A_127 = tpu.memref_squeeze %dma_start3A_126 : memref<1x!tpu.dma_semaphore, #tpu.memory_space<semaphore_mem>> -> memref<!tpu.dma_semaphore, #tpu.memory_space<semaphore_mem>>
    tpu.enqueue_indirect_dma source(%arg8 : memref<128x128xf32, #tpu.memory_space<vmem>>) target(%dma_start3A_125 : memref<10000x128xf32, #tpu.memory_space<vmem_shared>>) offsets(%arg14 : memref<128xi32, #tpu.memory_space<vmem>>) semaphore(%dma_start3A_127 : memref<!tpu.dma_semaphore, #tpu.memory_space<semaphore_mem>>) {add = true}
    %dma_wait3A_128 = arith.constant 0 : i32
    %dma_wait3A_129 = arith.constant 0 : i32
    %dma_wait3A_130 = arith.constant 0 : i32
    %dma_wait3A_131 = tpu.memref_slice %arg6[%dma_wait3A_129, %dma_wait3A_130] : memref<10000x128xf32, #tpu.memory_space<vmem_shared>> -> memref<128x128xf32, #tpu.memory_space<vmem_shared>>
    %dma_wait3A_132 = tpu.memref_slice %arg18[%dma_wait3A_128] : memref<3x!tpu.dma_semaphore, #tpu.memory_space<semaphore_mem>> -> memref<1x!tpu.dma_semaphore, #tpu.memory_space<semaphore_mem>>
    %dma_wait3A_133 = tpu.memref_squeeze %dma_wait3A_132 : memref<1x!tpu.dma_semaphore, #tpu.memory_space<semaphore_mem>> -> memref<!tpu.dma_semaphore, #tpu.memory_space<semaphore_mem>>
    %dma_wait3A_134 = arith.constant 0 : i32
    %dma_wait3A_135 = arith.constant 0 : i32
    %dma_wait3A_136 = tpu.memref_slice %arg6[%dma_wait3A_134, %dma_wait3A_135] : memref<10000x128xf32, #tpu.memory_space<vmem_shared>> -> memref<128x128xf32, #tpu.memory_space<vmem_shared>>
    tpu.wait_dma2 semaphore(%dma_wait3A_133 : memref<!tpu.dma_semaphore, #tpu.memory_space<semaphore_mem>>) src(%arg7 : memref<128x128xf32, #tpu.memory_space<vmem>>) dst(%dma_wait3A_136 : memref<128x128xf32, #tpu.memory_space<vmem_shared>>)
    %add3A_137 = arith.constant 384 : i32
    %add3A_138 = arith.addi %mul3A_2, %add3A_137 : i32
    %dma_start3A_139 = arith.constant 0 : i32
    %dma_start3A_140 = tpu.memref_slice %arg4[%add3A_138] : memref<320000xi32, #tpu.memory_space<hbm>> -> memref<128xi32, #tpu.memory_space<hbm>>
    %dma_start3A_141 = tpu.memref_slice %arg20[%dma_start3A_139] : memref<3x!tpu.dma_semaphore, #tpu.memory_space<semaphore_mem>> -> memref<1x!tpu.dma_semaphore, #tpu.memory_space<semaphore_mem>>
    %dma_start3A_142 = tpu.memref_squeeze %dma_start3A_141 : memref<1x!tpu.dma_semaphore, #tpu.memory_space<semaphore_mem>> -> memref<!tpu.dma_semaphore, #tpu.memory_space<semaphore_mem>>
    %dma_start3A_143 = tpu.memref_slice %arg4[%add3A_138] : memref<320000xi32, #tpu.memory_space<hbm>> -> memref<128xi32, #tpu.memory_space<hbm>>
    tpu.enqueue_dma source(%dma_start3A_143 : memref<128xi32, #tpu.memory_space<hbm>>) target(%arg13 : memref<128xi32, #tpu.memory_space<vmem>>) target_semaphore(%dma_start3A_142 : memref<!tpu.dma_semaphore, #tpu.memory_space<semaphore_mem>>)
    %dma_wait3A_144 = arith.constant 0 : i32
    %dma_wait3A_145 = tpu.memref_slice %arg3[%mul3A_2] : memref<320000xi32, #tpu.memory_space<hbm>> -> memref<128xi32, #tpu.memory_space<hbm>>
    %dma_wait3A_146 = tpu.memref_slice %arg19[%dma_wait3A_144] : memref<3x!tpu.dma_semaphore, #tpu.memory_space<semaphore_mem>> -> memref<1x!tpu.dma_semaphore, #tpu.memory_space<semaphore_mem>>
    %dma_wait3A_147 = tpu.memref_squeeze %dma_wait3A_146 : memref<1x!tpu.dma_semaphore, #tpu.memory_space<semaphore_mem>> -> memref<!tpu.dma_semaphore, #tpu.memory_space<semaphore_mem>>
    %dma_wait3A_148 = tpu.memref_slice %arg3[%mul3A_2] : memref<320000xi32, #tpu.memory_space<hbm>> -> memref<128xi32, #tpu.memory_space<hbm>>
    tpu.wait_dma2 semaphore(%dma_wait3A_147 : memref<!tpu.dma_semaphore, #tpu.memory_space<semaphore_mem>>) src(%dma_wait3A_148 : memref<128xi32, #tpu.memory_space<hbm>>) dst(%arg10 : memref<128xi32, #tpu.memory_space<vmem>>)
    %dma_start3A_149 = arith.constant 0 : i32
    %dma_start3A_150 = arith.constant 0 : i32
    %dma_start3A_151 = arith.constant 0 : i32
    %dma_start3A_152 = tpu.memref_slice %arg2[%dma_start3A_150, %dma_start3A_151] : memref<10000x128xf32, #tpu.memory_space<hbm>> -> memref<10000x128xf32, #tpu.memory_space<hbm>>
    %dma_start3A_153 = tpu.memref_slice %arg17[%dma_start3A_149] : memref<3x!tpu.dma_semaphore, #tpu.memory_space<semaphore_mem>> -> memref<1x!tpu.dma_semaphore, #tpu.memory_space<semaphore_mem>>
    %dma_start3A_154 = tpu.memref_squeeze %dma_start3A_153 : memref<1x!tpu.dma_semaphore, #tpu.memory_space<semaphore_mem>> -> memref<!tpu.dma_semaphore, #tpu.memory_space<semaphore_mem>>
    tpu.enqueue_indirect_dma source(%dma_start3A_152 : memref<10000x128xf32, #tpu.memory_space<hbm>>) target(%arg7 : memref<128x128xf32, #tpu.memory_space<vmem>>) offsets(%arg10 : memref<128xi32, #tpu.memory_space<vmem>>) semaphore(%dma_start3A_154 : memref<!tpu.dma_semaphore, #tpu.memory_space<semaphore_mem>>)
    %dma_wait3A_155 = arith.constant 2 : i32
    %dma_wait3A_156 = arith.constant 0 : i32
    %dma_wait3A_157 = arith.constant 0 : i32
    %dma_wait3A_158 = tpu.memref_slice %arg2[%dma_wait3A_156, %dma_wait3A_157] : memref<10000x128xf32, #tpu.memory_space<hbm>> -> memref<10000x128xf32, #tpu.memory_space<hbm>>
    %dma_wait3A_159 = tpu.memref_slice %arg17[%dma_wait3A_155] : memref<3x!tpu.dma_semaphore, #tpu.memory_space<semaphore_mem>> -> memref<1x!tpu.dma_semaphore, #tpu.memory_space<semaphore_mem>>
    %dma_wait3A_160 = tpu.memref_squeeze %dma_wait3A_159 : memref<1x!tpu.dma_semaphore, #tpu.memory_space<semaphore_mem>> -> memref<!tpu.dma_semaphore, #tpu.memory_space<semaphore_mem>>
    tpu.wait_indirect_dma semaphore(%dma_wait3A_160 : memref<!tpu.dma_semaphore, #tpu.memory_space<semaphore_mem>>) src(%dma_wait3A_158 : memref<10000x128xf32, #tpu.memory_space<hbm>>) dst(%arg9 : memref<128x128xf32, #tpu.memory_space<vmem>>)
    %add3A_161 = arith.constant 640 : i32
    %add3A_162 = arith.addi %mul3A_2, %add3A_161 : i32
    %dma_start3A_163 = arith.constant 2 : i32
    %dma_start3A_164 = tpu.memref_slice %arg3[%add3A_162] : memref<320000xi32, #tpu.memory_space<hbm>> -> memref<128xi32, #tpu.memory_space<hbm>>
    %dma_start3A_165 = tpu.memref_slice %arg19[%dma_start3A_163] : memref<3x!tpu.dma_semaphore, #tpu.memory_space<semaphore_mem>> -> memref<1x!tpu.dma_semaphore, #tpu.memory_space<semaphore_mem>>
    %dma_start3A_166 = tpu.memref_squeeze %dma_start3A_165 : memref<1x!tpu.dma_semaphore, #tpu.memory_space<semaphore_mem>> -> memref<!tpu.dma_semaphore, #tpu.memory_space<semaphore_mem>>
    %dma_start3A_167 = tpu.memref_slice %arg3[%add3A_162] : memref<320000xi32, #tpu.memory_space<hbm>> -> memref<128xi32, #tpu.memory_space<hbm>>
    tpu.enqueue_dma source(%dma_start3A_167 : memref<128xi32, #tpu.memory_space<hbm>>) target(%arg12 : memref<128xi32, #tpu.memory_space<vmem>>) target_semaphore(%dma_start3A_166 : memref<!tpu.dma_semaphore, #tpu.memory_space<semaphore_mem>>)
    %dma_wait3A_168 = arith.constant 2 : i32
    %dma_wait3A_169 = tpu.memref_slice %arg4[%mul3A_2] : memref<320000xi32, #tpu.memory_space<hbm>> -> memref<128xi32, #tpu.memory_space<hbm>>
    %dma_wait3A_170 = tpu.memref_slice %arg20[%dma_wait3A_168] : memref<3x!tpu.dma_semaphore, #tpu.memory_space<semaphore_mem>> -> memref<1x!tpu.dma_semaphore, #tpu.memory_space<semaphore_mem>>
    %dma_wait3A_171 = tpu.memref_squeeze %dma_wait3A_170 : memref<1x!tpu.dma_semaphore, #tpu.memory_space<semaphore_mem>> -> memref<!tpu.dma_semaphore, #tpu.memory_space<semaphore_mem>>
    %dma_wait3A_172 = tpu.memref_slice %arg4[%mul3A_2] : memref<320000xi32, #tpu.memory_space<hbm>> -> memref<128xi32, #tpu.memory_space<hbm>>
    tpu.wait_dma2 semaphore(%dma_wait3A_171 : memref<!tpu.dma_semaphore, #tpu.memory_space<semaphore_mem>>) src(%dma_wait3A_172 : memref<128xi32, #tpu.memory_space<hbm>>) dst(%arg15 : memref<128xi32, #tpu.memory_space<vmem>>)
    %dma_start3A_173 = arith.constant 2 : i32
    %dma_start3A_174 = arith.constant 0 : i32
    %dma_start3A_175 = arith.constant 0 : i32
    %dma_start3A_176 = tpu.memref_slice %arg6[%dma_start3A_174, %dma_start3A_175] : memref<10000x128xf32, #tpu.memory_space<vmem_shared>> -> memref<10000x128xf32, #tpu.memory_space<vmem_shared>>
    %dma_start3A_177 = tpu.memref_slice %arg18[%dma_start3A_173] : memref<3x!tpu.dma_semaphore, #tpu.memory_space<semaphore_mem>> -> memref<1x!tpu.dma_semaphore, #tpu.memory_space<semaphore_mem>>
    %dma_start3A_178 = tpu.memref_squeeze %dma_start3A_177 : memref<1x!tpu.dma_semaphore, #tpu.memory_space<semaphore_mem>> -> memref<!tpu.dma_semaphore, #tpu.memory_space<semaphore_mem>>
    tpu.enqueue_indirect_dma source(%arg9 : memref<128x128xf32, #tpu.memory_space<vmem>>) target(%dma_start3A_176 : memref<10000x128xf32, #tpu.memory_space<vmem_shared>>) offsets(%arg15 : memref<128xi32, #tpu.memory_space<vmem>>) semaphore(%dma_start3A_178 : memref<!tpu.dma_semaphore, #tpu.memory_space<semaphore_mem>>) {add = true}
    %dma_wait3A_179 = arith.constant 1 : i32
    %dma_wait3A_180 = arith.constant 0 : i32
    %dma_wait3A_181 = arith.constant 0 : i32
    %dma_wait3A_182 = tpu.memref_slice %arg6[%dma_wait3A_180, %dma_wait3A_181] : memref<10000x128xf32, #tpu.memory_space<vmem_shared>> -> memref<128x128xf32, #tpu.memory_space<vmem_shared>>
    %dma_wait3A_183 = tpu.memref_slice %arg18[%dma_wait3A_179] : memref<3x!tpu.dma_semaphore, #tpu.memory_space<semaphore_mem>> -> memref<1x!tpu.dma_semaphore, #tpu.memory_space<semaphore_mem>>
    %dma_wait3A_184 = tpu.memref_squeeze %dma_wait3A_183 : memref<1x!tpu.dma_semaphore, #tpu.memory_space<semaphore_mem>> -> memref<!tpu.dma_semaphore, #tpu.memory_space<semaphore_mem>>
    %dma_wait3A_185 = arith.constant 0 : i32
    %dma_wait3A_186 = arith.constant 0 : i32
    %dma_wait3A_187 = tpu.memref_slice %arg6[%dma_wait3A_185, %dma_wait3A_186] : memref<10000x128xf32, #tpu.memory_space<vmem_shared>> -> memref<128x128xf32, #tpu.memory_space<vmem_shared>>
    tpu.wait_dma2 semaphore(%dma_wait3A_184 : memref<!tpu.dma_semaphore, #tpu.memory_space<semaphore_mem>>) src(%arg8 : memref<128x128xf32, #tpu.memory_space<vmem>>) dst(%dma_wait3A_187 : memref<128x128xf32, #tpu.memory_space<vmem_shared>>)
    %add3A_188 = arith.constant 512 : i32
    %add3A_189 = arith.addi %mul3A_2, %add3A_188 : i32
    %dma_start3A_190 = arith.constant 1 : i32
    %dma_start3A_191 = tpu.memref_slice %arg4[%add3A_189] : memref<320000xi32, #tpu.memory_space<hbm>> -> memref<128xi32, #tpu.memory_space<hbm>>
    %dma_start3A_192 = tpu.memref_slice %arg20[%dma_start3A_190] : memref<3x!tpu.dma_semaphore, #tpu.memory_space<semaphore_mem>> -> memref<1x!tpu.dma_semaphore, #tpu.memory_space<semaphore_mem>>
    %dma_start3A_193 = tpu.memref_squeeze %dma_start3A_192 : memref<1x!tpu.dma_semaphore, #tpu.memory_space<semaphore_mem>> -> memref<!tpu.dma_semaphore, #tpu.memory_space<semaphore_mem>>
    %dma_start3A_194 = tpu.memref_slice %arg4[%add3A_189] : memref<320000xi32, #tpu.memory_space<hbm>> -> memref<128xi32, #tpu.memory_space<hbm>>
    tpu.enqueue_dma source(%dma_start3A_194 : memref<128xi32, #tpu.memory_space<hbm>>) target(%arg14 : memref<128xi32, #tpu.memory_space<vmem>>) target_semaphore(%dma_start3A_193 : memref<!tpu.dma_semaphore, #tpu.memory_space<semaphore_mem>>)
    %dma_wait3A_195 = arith.constant 1 : i32
    %dma_wait3A_196 = tpu.memref_slice %arg3[%mul3A_2] : memref<320000xi32, #tpu.memory_space<hbm>> -> memref<128xi32, #tpu.memory_space<hbm>>
    %dma_wait3A_197 = tpu.memref_slice %arg19[%dma_wait3A_195] : memref<3x!tpu.dma_semaphore, #tpu.memory_space<semaphore_mem>> -> memref<1x!tpu.dma_semaphore, #tpu.memory_space<semaphore_mem>>
    %dma_wait3A_198 = tpu.memref_squeeze %dma_wait3A_197 : memref<1x!tpu.dma_semaphore, #tpu.memory_space<semaphore_mem>> -> memref<!tpu.dma_semaphore, #tpu.memory_space<semaphore_mem>>
    %dma_wait3A_199 = tpu.memref_slice %arg3[%mul3A_2] : memref<320000xi32, #tpu.memory_space<hbm>> -> memref<128xi32, #tpu.memory_space<hbm>>
    tpu.wait_dma2 semaphore(%dma_wait3A_198 : memref<!tpu.dma_semaphore, #tpu.memory_space<semaphore_mem>>) src(%dma_wait3A_199 : memref<128xi32, #tpu.memory_space<hbm>>) dst(%arg11 : memref<128xi32, #tpu.memory_space<vmem>>)
    %dma_start3A_200 = arith.constant 1 : i32
    %dma_start3A_201 = arith.constant 0 : i32
    %dma_start3A_202 = arith.constant 0 : i32
    %dma_start3A_203 = tpu.memref_slice %arg2[%dma_start3A_201, %dma_start3A_202] : memref<10000x128xf32, #tpu.memory_space<hbm>> -> memref<10000x128xf32, #tpu.memory_space<hbm>>
    %dma_start3A_204 = tpu.memref_slice %arg17[%dma_start3A_200] : memref<3x!tpu.dma_semaphore, #tpu.memory_space<semaphore_mem>> -> memref<1x!tpu.dma_semaphore, #tpu.memory_space<semaphore_mem>>
    %dma_start3A_205 = tpu.memref_squeeze %dma_start3A_204 : memref<1x!tpu.dma_semaphore, #tpu.memory_space<semaphore_mem>> -> memref<!tpu.dma_semaphore, #tpu.memory_space<semaphore_mem>>
    tpu.enqueue_indirect_dma source(%dma_start3A_203 : memref<10000x128xf32, #tpu.memory_space<hbm>>) target(%arg8 : memref<128x128xf32, #tpu.memory_space<vmem>>) offsets(%arg11 : memref<128xi32, #tpu.memory_space<vmem>>) semaphore(%dma_start3A_205 : memref<!tpu.dma_semaphore, #tpu.memory_space<semaphore_mem>>)
    %scan3A = arith.constant 0 : i32
    %scan3A_206 = arith.constant 24 : i32
    %scan3A_207 = arith.addi %scan3A, %scan3A_206 : i32
    %scan3A_208 = arith.constant 1 : i32
    scf.for %scan3A_372 = %scan3A to %scan3A_207 step %scan3A_208  : i32 {
      %mul3A_373 = arith.constant 3 : i32
      %mul3A_374 = arith.muli %scan3A_372, %mul3A_373 : i32
      %add3A_375 = arith.constant 3 : i32
      %add3A_376 = arith.addi %add3A_375, %mul3A_374 : i32
      %add3A_377 = arith.constant 0 : i32
      %add3A_378 = arith.addi %add3A_376, %add3A_377 : i32
      %dma_wait3A_379 = arith.constant 0 : i32
      %dma_wait3A_380 = arith.constant 0 : i32
      %dma_wait3A_381 = arith.constant 0 : i32
      %dma_wait3A_382 = tpu.memref_slice %arg2[%dma_wait3A_380, %dma_wait3A_381] : memref<10000x128xf32, #tpu.memory_space<hbm>> -> memref<10000x128xf32, #tpu.memory_space<hbm>>
      %dma_wait3A_383 = tpu.memref_slice %arg17[%dma_wait3A_379] : memref<3x!tpu.dma_semaphore, #tpu.memory_space<semaphore_mem>> -> memref<1x!tpu.dma_semaphore, #tpu.memory_space<semaphore_mem>>
      %dma_wait3A_384 = tpu.memref_squeeze %dma_wait3A_383 : memref<1x!tpu.dma_semaphore, #tpu.memory_space<semaphore_mem>> -> memref<!tpu.dma_semaphore, #tpu.memory_space<semaphore_mem>>
      tpu.wait_indirect_dma semaphore(%dma_wait3A_384 : memref<!tpu.dma_semaphore, #tpu.memory_space<semaphore_mem>>) src(%dma_wait3A_382 : memref<10000x128xf32, #tpu.memory_space<hbm>>) dst(%arg7 : memref<128x128xf32, #tpu.memory_space<vmem>>)
      %add3A_385 = arith.constant 3 : i32
      %add3A_386 = arith.addi %add3A_378, %add3A_385 : i32
      %mul3A_387 = arith.constant 128 : i32
      %mul3A_388 = arith.muli %add3A_386, %mul3A_387 : i32
      %add3A_389 = arith.addi %mul3A_2, %mul3A_388 : i32
      %dma_start3A_390 = arith.constant 0 : i32
      %dma_start3A_391 = tpu.memref_slice %arg3[%add3A_389] : memref<320000xi32, #tpu.memory_space<hbm>> -> memref<128xi32, #tpu.memory_space<hbm>>
      %dma_start3A_392 = tpu.memref_slice %arg19[%dma_start3A_390] : memref<3x!tpu.dma_semaphore, #tpu.memory_space<semaphore_mem>> -> memref<1x!tpu.dma_semaphore, #tpu.memory_space<semaphore_mem>>
      %dma_start3A_393 = tpu.memref_squeeze %dma_start3A_392 : memref<1x!tpu.dma_semaphore, #tpu.memory_space<semaphore_mem>> -> memref<!tpu.dma_semaphore, #tpu.memory_space<semaphore_mem>>
      %dma_start3A_394 = tpu.memref_slice %arg3[%add3A_389] : memref<320000xi32, #tpu.memory_space<hbm>> -> memref<128xi32, #tpu.memory_space<hbm>>
      tpu.enqueue_dma source(%dma_start3A_394 : memref<128xi32, #tpu.memory_space<hbm>>) target(%arg10 : memref<128xi32, #tpu.memory_space<vmem>>) target_semaphore(%dma_start3A_393 : memref<!tpu.dma_semaphore, #tpu.memory_space<semaphore_mem>>)
      %dma_wait3A_395 = arith.constant 0 : i32
      %dma_wait3A_396 = tpu.memref_slice %arg4[%mul3A_2] : memref<320000xi32, #tpu.memory_space<hbm>> -> memref<128xi32, #tpu.memory_space<hbm>>
      %dma_wait3A_397 = tpu.memref_slice %arg20[%dma_wait3A_395] : memref<3x!tpu.dma_semaphore, #tpu.memory_space<semaphore_mem>> -> memref<1x!tpu.dma_semaphore, #tpu.memory_space<semaphore_mem>>
      %dma_wait3A_398 = tpu.memref_squeeze %dma_wait3A_397 : memref<1x!tpu.dma_semaphore, #tpu.memory_space<semaphore_mem>> -> memref<!tpu.dma_semaphore, #tpu.memory_space<semaphore_mem>>
      %dma_wait3A_399 = tpu.memref_slice %arg4[%mul3A_2] : memref<320000xi32, #tpu.memory_space<hbm>> -> memref<128xi32, #tpu.memory_space<hbm>>
      tpu.wait_dma2 semaphore(%dma_wait3A_398 : memref<!tpu.dma_semaphore, #tpu.memory_space<semaphore_mem>>) src(%dma_wait3A_399 : memref<128xi32, #tpu.memory_space<hbm>>) dst(%arg13 : memref<128xi32, #tpu.memory_space<vmem>>)
      %dma_start3A_400 = arith.constant 0 : i32
      %dma_start3A_401 = arith.constant 0 : i32
      %dma_start3A_402 = arith.constant 0 : i32
      %dma_start3A_403 = tpu.memref_slice %arg6[%dma_start3A_401, %dma_start3A_402] : memref<10000x128xf32, #tpu.memory_space<vmem_shared>> -> memref<10000x128xf32, #tpu.memory_space<vmem_shared>>
      %dma_start3A_404 = tpu.memref_slice %arg18[%dma_start3A_400] : memref<3x!tpu.dma_semaphore, #tpu.memory_space<semaphore_mem>> -> memref<1x!tpu.dma_semaphore, #tpu.memory_space<semaphore_mem>>
      %dma_start3A_405 = tpu.memref_squeeze %dma_start3A_404 : memref<1x!tpu.dma_semaphore, #tpu.memory_space<semaphore_mem>> -> memref<!tpu.dma_semaphore, #tpu.memory_space<semaphore_mem>>
      tpu.enqueue_indirect_dma source(%arg7 : memref<128x128xf32, #tpu.memory_space<vmem>>) target(%dma_start3A_403 : memref<10000x128xf32, #tpu.memory_space<vmem_shared>>) offsets(%arg13 : memref<128xi32, #tpu.memory_space<vmem>>) semaphore(%dma_start3A_405 : memref<!tpu.dma_semaphore, #tpu.memory_space<semaphore_mem>>) {add = true}
      %dma_wait3A_406 = arith.constant 2 : i32
      %dma_wait3A_407 = arith.constant 0 : i32
      %dma_wait3A_408 = arith.constant 0 : i32
      %dma_wait3A_409 = tpu.memref_slice %arg6[%dma_wait3A_407, %dma_wait3A_408] : memref<10000x128xf32, #tpu.memory_space<vmem_shared>> -> memref<128x128xf32, #tpu.memory_space<vmem_shared>>
      %dma_wait3A_410 = tpu.memref_slice %arg18[%dma_wait3A_406] : memref<3x!tpu.dma_semaphore, #tpu.memory_space<semaphore_mem>> -> memref<1x!tpu.dma_semaphore, #tpu.memory_space<semaphore_mem>>
      %dma_wait3A_411 = tpu.memref_squeeze %dma_wait3A_410 : memref<1x!tpu.dma_semaphore, #tpu.memory_space<semaphore_mem>> -> memref<!tpu.dma_semaphore, #tpu.memory_space<semaphore_mem>>
      %dma_wait3A_412 = arith.constant 0 : i32
      %dma_wait3A_413 = arith.constant 0 : i32
      %dma_wait3A_414 = tpu.memref_slice %arg6[%dma_wait3A_412, %dma_wait3A_413] : memref<10000x128xf32, #tpu.memory_space<vmem_shared>> -> memref<128x128xf32, #tpu.memory_space<vmem_shared>>
      tpu.wait_dma2 semaphore(%dma_wait3A_411 : memref<!tpu.dma_semaphore, #tpu.memory_space<semaphore_mem>>) src(%arg9 : memref<128x128xf32, #tpu.memory_space<vmem>>) dst(%dma_wait3A_414 : memref<128x128xf32, #tpu.memory_space<vmem_shared>>)
      %add3A_415 = arith.constant 2 : i32
      %add3A_416 = arith.addi %add3A_378, %add3A_415 : i32
      %mul3A_417 = arith.constant 128 : i32
      %mul3A_418 = arith.muli %add3A_416, %mul3A_417 : i32
      %add3A_419 = arith.addi %mul3A_2, %mul3A_418 : i32
      %dma_start3A_420 = arith.constant 2 : i32
      %dma_start3A_421 = tpu.memref_slice %arg4[%add3A_419] : memref<320000xi32, #tpu.memory_space<hbm>> -> memref<128xi32, #tpu.memory_space<hbm>>
      %dma_start3A_422 = tpu.memref_slice %arg20[%dma_start3A_420] : memref<3x!tpu.dma_semaphore, #tpu.memory_space<semaphore_mem>> -> memref<1x!tpu.dma_semaphore, #tpu.memory_space<semaphore_mem>>
      %dma_start3A_423 = tpu.memref_squeeze %dma_start3A_422 : memref<1x!tpu.dma_semaphore, #tpu.memory_space<semaphore_mem>> -> memref<!tpu.dma_semaphore, #tpu.memory_space<semaphore_mem>>
      %dma_start3A_424 = tpu.memref_slice %arg4[%add3A_419] : memref<320000xi32, #tpu.memory_space<hbm>> -> memref<128xi32, #tpu.memory_space<hbm>>
      tpu.enqueue_dma source(%dma_start3A_424 : memref<128xi32, #tpu.memory_space<hbm>>) target(%arg15 : memref<128xi32, #tpu.memory_space<vmem>>) target_semaphore(%dma_start3A_423 : memref<!tpu.dma_semaphore, #tpu.memory_space<semaphore_mem>>)
      %dma_wait3A_425 = arith.constant 2 : i32
      %dma_wait3A_426 = tpu.memref_slice %arg3[%mul3A_2] : memref<320000xi32, #tpu.memory_space<hbm>> -> memref<128xi32, #tpu.memory_space<hbm>>
      %dma_wait3A_427 = tpu.memref_slice %arg19[%dma_wait3A_425] : memref<3x!tpu.dma_semaphore, #tpu.memory_space<semaphore_mem>> -> memref<1x!tpu.dma_semaphore, #tpu.memory_space<semaphore_mem>>
      %dma_wait3A_428 = tpu.memref_squeeze %dma_wait3A_427 : memref<1x!tpu.dma_semaphore, #tpu.memory_space<semaphore_mem>> -> memref<!tpu.dma_semaphore, #tpu.memory_space<semaphore_mem>>
      %dma_wait3A_429 = tpu.memref_slice %arg3[%mul3A_2] : memref<320000xi32, #tpu.memory_space<hbm>> -> memref<128xi32, #tpu.memory_space<hbm>>
      tpu.wait_dma2 semaphore(%dma_wait3A_428 : memref<!tpu.dma_semaphore, #tpu.memory_space<semaphore_mem>>) src(%dma_wait3A_429 : memref<128xi32, #tpu.memory_space<hbm>>) dst(%arg12 : memref<128xi32, #tpu.memory_space<vmem>>)
      %dma_start3A_430 = arith.constant 2 : i32
      %dma_start3A_431 = arith.constant 0 : i32
      %dma_start3A_432 = arith.constant 0 : i32
      %dma_start3A_433 = tpu.memref_slice %arg2[%dma_start3A_431, %dma_start3A_432] : memref<10000x128xf32, #tpu.memory_space<hbm>> -> memref<10000x128xf32, #tpu.memory_space<hbm>>
      %dma_start3A_434 = tpu.memref_slice %arg17[%dma_start3A_430] : memref<3x!tpu.dma_semaphore, #tpu.memory_space<semaphore_mem>> -> memref<1x!tpu.dma_semaphore, #tpu.memory_space<semaphore_mem>>
      %dma_start3A_435 = tpu.memref_squeeze %dma_start3A_434 : memref<1x!tpu.dma_semaphore, #tpu.memory_space<semaphore_mem>> -> memref<!tpu.dma_semaphore, #tpu.memory_space<semaphore_mem>>
      tpu.enqueue_indirect_dma source(%dma_start3A_433 : memref<10000x128xf32, #tpu.memory_space<hbm>>) target(%arg9 : memref<128x128xf32, #tpu.memory_space<vmem>>) offsets(%arg12 : memref<128xi32, #tpu.memory_space<vmem>>) semaphore(%dma_start3A_435 : memref<!tpu.dma_semaphore, #tpu.memory_space<semaphore_mem>>)
      %add3A_436 = arith.constant 1 : i32
      %add3A_437 = arith.addi %add3A_376, %add3A_436 : i32
      %dma_wait3A_438 = arith.constant 1 : i32
      %dma_wait3A_439 = arith.constant 0 : i32
      %dma_wait3A_440 = arith.constant 0 : i32
      %dma_wait3A_441 = tpu.memref_slice %arg2[%dma_wait3A_439, %dma_wait3A_440] : memref<10000x128xf32, #tpu.memory_space<hbm>> -> memref<10000x128xf32, #tpu.memory_space<hbm>>
      %dma_wait3A_442 = tpu.memref_slice %arg17[%dma_wait3A_438] : memref<3x!tpu.dma_semaphore, #tpu.memory_space<semaphore_mem>> -> memref<1x!tpu.dma_semaphore, #tpu.memory_space<semaphore_mem>>
      %dma_wait3A_443 = tpu.memref_squeeze %dma_wait3A_442 : memref<1x!tpu.dma_semaphore, #tpu.memory_space<semaphore_mem>> -> memref<!tpu.dma_semaphore, #tpu.memory_space<semaphore_mem>>
      tpu.wait_indirect_dma semaphore(%dma_wait3A_443 : memref<!tpu.dma_semaphore, #tpu.memory_space<semaphore_mem>>) src(%dma_wait3A_441 : memref<10000x128xf32, #tpu.memory_space<hbm>>) dst(%arg8 : memref<128x128xf32, #tpu.memory_space<vmem>>)
      %add3A_444 = arith.constant 3 : i32
      %add3A_445 = arith.addi %add3A_437, %add3A_444 : i32
      %mul3A_446 = arith.constant 128 : i32
      %mul3A_447 = arith.muli %add3A_445, %mul3A_446 : i32
      %add3A_448 = arith.addi %mul3A_2, %mul3A_447 : i32
      %dma_start3A_449 = arith.constant 1 : i32
      %dma_start3A_450 = tpu.memref_slice %arg3[%add3A_448] : memref<320000xi32, #tpu.memory_space<hbm>> -> memref<128xi32, #tpu.memory_space<hbm>>
      %dma_start3A_451 = tpu.memref_slice %arg19[%dma_start3A_449] : memref<3x!tpu.dma_semaphore, #tpu.memory_space<semaphore_mem>> -> memref<1x!tpu.dma_semaphore, #tpu.memory_space<semaphore_mem>>
      %dma_start3A_452 = tpu.memref_squeeze %dma_start3A_451 : memref<1x!tpu.dma_semaphore, #tpu.memory_space<semaphore_mem>> -> memref<!tpu.dma_semaphore, #tpu.memory_space<semaphore_mem>>
      %dma_start3A_453 = tpu.memref_slice %arg3[%add3A_448] : memref<320000xi32, #tpu.memory_space<hbm>> -> memref<128xi32, #tpu.memory_space<hbm>>
      tpu.enqueue_dma source(%dma_start3A_453 : memref<128xi32, #tpu.memory_space<hbm>>) target(%arg11 : memref<128xi32, #tpu.memory_space<vmem>>) target_semaphore(%dma_start3A_452 : memref<!tpu.dma_semaphore, #tpu.memory_space<semaphore_mem>>)
      %dma_wait3A_454 = arith.constant 1 : i32
      %dma_wait3A_455 = tpu.memref_slice %arg4[%mul3A_2] : memref<320000xi32, #tpu.memory_space<hbm>> -> memref<128xi32, #tpu.memory_space<hbm>>
      %dma_wait3A_456 = tpu.memref_slice %arg20[%dma_wait3A_454] : memref<3x!tpu.dma_semaphore, #tpu.memory_space<semaphore_mem>> -> memref<1x!tpu.dma_semaphore, #tpu.memory_space<semaphore_mem>>
      %dma_wait3A_457 = tpu.memref_squeeze %dma_wait3A_456 : memref<1x!tpu.dma_semaphore, #tpu.memory_space<semaphore_mem>> -> memref<!tpu.dma_semaphore, #tpu.memory_space<semaphore_mem>>
      %dma_wait3A_458 = tpu.memref_slice %arg4[%mul3A_2] : memref<320000xi32, #tpu.memory_space<hbm>> -> memref<128xi32, #tpu.memory_space<hbm>>
      tpu.wait_dma2 semaphore(%dma_wait3A_457 : memref<!tpu.dma_semaphore, #tpu.memory_space<semaphore_mem>>) src(%dma_wait3A_458 : memref<128xi32, #tpu.memory_space<hbm>>) dst(%arg14 : memref<128xi32, #tpu.memory_space<vmem>>)
      %dma_start3A_459 = arith.constant 1 : i32
      %dma_start3A_460 = arith.constant 0 : i32
      %dma_start3A_461 = arith.constant 0 : i32
      %dma_start3A_462 = tpu.memref_slice %arg6[%dma_start3A_460, %dma_start3A_461] : memref<10000x128xf32, #tpu.memory_space<vmem_shared>> -> memref<10000x128xf32, #tpu.memory_space<vmem_shared>>
      %dma_start3A_463 = tpu.memref_slice %arg18[%dma_start3A_459] : memref<3x!tpu.dma_semaphore, #tpu.memory_space<semaphore_mem>> -> memref<1x!tpu.dma_semaphore, #tpu.memory_space<semaphore_mem>>
      %dma_start3A_464 = tpu.memref_squeeze %dma_start3A_463 : memref<1x!tpu.dma_semaphore, #tpu.memory_space<semaphore_mem>> -> memref<!tpu.dma_semaphore, #tpu.memory_space<semaphore_mem>>
      tpu.enqueue_indirect_dma source(%arg8 : memref<128x128xf32, #tpu.memory_space<vmem>>) target(%dma_start3A_462 : memref<10000x128xf32, #tpu.memory_space<vmem_shared>>) offsets(%arg14 : memref<128xi32, #tpu.memory_space<vmem>>) semaphore(%dma_start3A_464 : memref<!tpu.dma_semaphore, #tpu.memory_space<semaphore_mem>>) {add = true}
      %dma_wait3A_465 = arith.constant 0 : i32
      %dma_wait3A_466 = arith.constant 0 : i32
      %dma_wait3A_467 = arith.constant 0 : i32
      %dma_wait3A_468 = tpu.memref_slice %arg6[%dma_wait3A_466, %dma_wait3A_467] : memref<10000x128xf32, #tpu.memory_space<vmem_shared>> -> memref<128x128xf32, #tpu.memory_space<vmem_shared>>
      %dma_wait3A_469 = tpu.memref_slice %arg18[%dma_wait3A_465] : memref<3x!tpu.dma_semaphore, #tpu.memory_space<semaphore_mem>> -> memref<1x!tpu.dma_semaphore, #tpu.memory_space<semaphore_mem>>
      %dma_wait3A_470 = tpu.memref_squeeze %dma_wait3A_469 : memref<1x!tpu.dma_semaphore, #tpu.memory_space<semaphore_mem>> -> memref<!tpu.dma_semaphore, #tpu.memory_space<semaphore_mem>>
      %dma_wait3A_471 = arith.constant 0 : i32
      %dma_wait3A_472 = arith.constant 0 : i32
      %dma_wait3A_473 = tpu.memref_slice %arg6[%dma_wait3A_471, %dma_wait3A_472] : memref<10000x128xf32, #tpu.memory_space<vmem_shared>> -> memref<128x128xf32, #tpu.memory_space<vmem_shared>>
      tpu.wait_dma2 semaphore(%dma_wait3A_470 : memref<!tpu.dma_semaphore, #tpu.memory_space<semaphore_mem>>) src(%arg7 : memref<128x128xf32, #tpu.memory_space<vmem>>) dst(%dma_wait3A_473 : memref<128x128xf32, #tpu.memory_space<vmem_shared>>)
      %add3A_474 = arith.constant 2 : i32
      %add3A_475 = arith.addi %add3A_437, %add3A_474 : i32
      %mul3A_476 = arith.constant 128 : i32
      %mul3A_477 = arith.muli %add3A_475, %mul3A_476 : i32
      %add3A_478 = arith.addi %mul3A_2, %mul3A_477 : i32
      %dma_start3A_479 = arith.constant 0 : i32
      %dma_start3A_480 = tpu.memref_slice %arg4[%add3A_478] : memref<320000xi32, #tpu.memory_space<hbm>> -> memref<128xi32, #tpu.memory_space<hbm>>
      %dma_start3A_481 = tpu.memref_slice %arg20[%dma_start3A_479] : memref<3x!tpu.dma_semaphore, #tpu.memory_space<semaphore_mem>> -> memref<1x!tpu.dma_semaphore, #tpu.memory_space<semaphore_mem>>
      %dma_start3A_482 = tpu.memref_squeeze %dma_start3A_481 : memref<1x!tpu.dma_semaphore, #tpu.memory_space<semaphore_mem>> -> memref<!tpu.dma_semaphore, #tpu.memory_space<semaphore_mem>>
      %dma_start3A_483 = tpu.memref_slice %arg4[%add3A_478] : memref<320000xi32, #tpu.memory_space<hbm>> -> memref<128xi32, #tpu.memory_space<hbm>>
      tpu.enqueue_dma source(%dma_start3A_483 : memref<128xi32, #tpu.memory_space<hbm>>) target(%arg13 : memref<128xi32, #tpu.memory_space<vmem>>) target_semaphore(%dma_start3A_482 : memref<!tpu.dma_semaphore, #tpu.memory_space<semaphore_mem>>)
      %dma_wait3A_484 = arith.constant 0 : i32
      %dma_wait3A_485 = tpu.memref_slice %arg3[%mul3A_2] : memref<320000xi32, #tpu.memory_space<hbm>> -> memref<128xi32, #tpu.memory_space<hbm>>
      %dma_wait3A_486 = tpu.memref_slice %arg19[%dma_wait3A_484] : memref<3x!tpu.dma_semaphore, #tpu.memory_space<semaphore_mem>> -> memref<1x!tpu.dma_semaphore, #tpu.memory_space<semaphore_mem>>
      %dma_wait3A_487 = tpu.memref_squeeze %dma_wait3A_486 : memref<1x!tpu.dma_semaphore, #tpu.memory_space<semaphore_mem>> -> memref<!tpu.dma_semaphore, #tpu.memory_space<semaphore_mem>>
      %dma_wait3A_488 = tpu.memref_slice %arg3[%mul3A_2] : memref<320000xi32, #tpu.memory_space<hbm>> -> memref<128xi32, #tpu.memory_space<hbm>>
      tpu.wait_dma2 semaphore(%dma_wait3A_487 : memref<!tpu.dma_semaphore, #tpu.memory_space<semaphore_mem>>) src(%dma_wait3A_488 : memref<128xi32, #tpu.memory_space<hbm>>) dst(%arg10 : memref<128xi32, #tpu.memory_space<vmem>>)
      %dma_start3A_489 = arith.constant 0 : i32
      %dma_start3A_490 = arith.constant 0 : i32
      %dma_start3A_491 = arith.constant 0 : i32
      %dma_start3A_492 = tpu.memref_slice %arg2[%dma_start3A_490, %dma_start3A_491] : memref<10000x128xf32, #tpu.memory_space<hbm>> -> memref<10000x128xf32, #tpu.memory_space<hbm>>
      %dma_start3A_493 = tpu.memref_slice %arg17[%dma_start3A_489] : memref<3x!tpu.dma_semaphore, #tpu.memory_space<semaphore_mem>> -> memref<1x!tpu.dma_semaphore, #tpu.memory_space<semaphore_mem>>
      %dma_start3A_494 = tpu.memref_squeeze %dma_start3A_493 : memref<1x!tpu.dma_semaphore, #tpu.memory_space<semaphore_mem>> -> memref<!tpu.dma_semaphore, #tpu.memory_space<semaphore_mem>>
      tpu.enqueue_indirect_dma source(%dma_start3A_492 : memref<10000x128xf32, #tpu.memory_space<hbm>>) target(%arg7 : memref<128x128xf32, #tpu.memory_space<vmem>>) offsets(%arg10 : memref<128xi32, #tpu.memory_space<vmem>>) semaphore(%dma_start3A_494 : memref<!tpu.dma_semaphore, #tpu.memory_space<semaphore_mem>>)
      %add3A_495 = arith.constant 2 : i32
      %add3A_496 = arith.addi %add3A_376, %add3A_495 : i32
      %dma_wait3A_497 = arith.constant 2 : i32
      %dma_wait3A_498 = arith.constant 0 : i32
      %dma_wait3A_499 = arith.constant 0 : i32
      %dma_wait3A_500 = tpu.memref_slice %arg2[%dma_wait3A_498, %dma_wait3A_499] : memref<10000x128xf32, #tpu.memory_space<hbm>> -> memref<10000x128xf32, #tpu.memory_space<hbm>>
      %dma_wait3A_501 = tpu.memref_slice %arg17[%dma_wait3A_497] : memref<3x!tpu.dma_semaphore, #tpu.memory_space<semaphore_mem>> -> memref<1x!tpu.dma_semaphore, #tpu.memory_space<semaphore_mem>>
      %dma_wait3A_502 = tpu.memref_squeeze %dma_wait3A_501 : memref<1x!tpu.dma_semaphore, #tpu.memory_space<semaphore_mem>> -> memref<!tpu.dma_semaphore, #tpu.memory_space<semaphore_mem>>
      tpu.wait_indirect_dma semaphore(%dma_wait3A_502 : memref<!tpu.dma_semaphore, #tpu.memory_space<semaphore_mem>>) src(%dma_wait3A_500 : memref<10000x128xf32, #tpu.memory_space<hbm>>) dst(%arg9 : memref<128x128xf32, #tpu.memory_space<vmem>>)
      %add3A_503 = arith.constant 3 : i32
      %add3A_504 = arith.addi %add3A_496, %add3A_503 : i32
      %mul3A_505 = arith.constant 128 : i32
      %mul3A_506 = arith.muli %add3A_504, %mul3A_505 : i32
      %add3A_507 = arith.addi %mul3A_2, %mul3A_506 : i32
      %dma_start3A_508 = arith.constant 2 : i32
      %dma_start3A_509 = tpu.memref_slice %arg3[%add3A_507] : memref<320000xi32, #tpu.memory_space<hbm>> -> memref<128xi32, #tpu.memory_space<hbm>>
      %dma_start3A_510 = tpu.memref_slice %arg19[%dma_start3A_508] : memref<3x!tpu.dma_semaphore, #tpu.memory_space<semaphore_mem>> -> memref<1x!tpu.dma_semaphore, #tpu.memory_space<semaphore_mem>>
      %dma_start3A_511 = tpu.memref_squeeze %dma_start3A_510 : memref<1x!tpu.dma_semaphore, #tpu.memory_space<semaphore_mem>> -> memref<!tpu.dma_semaphore, #tpu.memory_space<semaphore_mem>>
      %dma_start3A_512 = tpu.memref_slice %arg3[%add3A_507] : memref<320000xi32, #tpu.memory_space<hbm>> -> memref<128xi32, #tpu.memory_space<hbm>>
      tpu.enqueue_dma source(%dma_start3A_512 : memref<128xi32, #tpu.memory_space<hbm>>) target(%arg12 : memref<128xi32, #tpu.memory_space<vmem>>) target_semaphore(%dma_start3A_511 : memref<!tpu.dma_semaphore, #tpu.memory_space<semaphore_mem>>)
      %dma_wait3A_513 = arith.constant 2 : i32
      %dma_wait3A_514 = tpu.memref_slice %arg4[%mul3A_2] : memref<320000xi32, #tpu.memory_space<hbm>> -> memref<128xi32, #tpu.memory_space<hbm>>
      %dma_wait3A_515 = tpu.memref_slice %arg20[%dma_wait3A_513] : memref<3x!tpu.dma_semaphore, #tpu.memory_space<semaphore_mem>> -> memref<1x!tpu.dma_semaphore, #tpu.memory_space<semaphore_mem>>
      %dma_wait3A_516 = tpu.memref_squeeze %dma_wait3A_515 : memref<1x!tpu.dma_semaphore, #tpu.memory_space<semaphore_mem>> -> memref<!tpu.dma_semaphore, #tpu.memory_space<semaphore_mem>>
      %dma_wait3A_517 = tpu.memref_slice %arg4[%mul3A_2] : memref<320000xi32, #tpu.memory_space<hbm>> -> memref<128xi32, #tpu.memory_space<hbm>>
      tpu.wait_dma2 semaphore(%dma_wait3A_516 : memref<!tpu.dma_semaphore, #tpu.memory_space<semaphore_mem>>) src(%dma_wait3A_517 : memref<128xi32, #tpu.memory_space<hbm>>) dst(%arg15 : memref<128xi32, #tpu.memory_space<vmem>>)
      %dma_start3A_518 = arith.constant 2 : i32
      %dma_start3A_519 = arith.constant 0 : i32
      %dma_start3A_520 = arith.constant 0 : i32
      %dma_start3A_521 = tpu.memref_slice %arg6[%dma_start3A_519, %dma_start3A_520] : memref<10000x128xf32, #tpu.memory_space<vmem_shared>> -> memref<10000x128xf32, #tpu.memory_space<vmem_shared>>
      %dma_start3A_522 = tpu.memref_slice %arg18[%dma_start3A_518] : memref<3x!tpu.dma_semaphore, #tpu.memory_space<semaphore_mem>> -> memref<1x!tpu.dma_semaphore, #tpu.memory_space<semaphore_mem>>
      %dma_start3A_523 = tpu.memref_squeeze %dma_start3A_522 : memref<1x!tpu.dma_semaphore, #tpu.memory_space<semaphore_mem>> -> memref<!tpu.dma_semaphore, #tpu.memory_space<semaphore_mem>>
      tpu.enqueue_indirect_dma source(%arg9 : memref<128x128xf32, #tpu.memory_space<vmem>>) target(%dma_start3A_521 : memref<10000x128xf32, #tpu.memory_space<vmem_shared>>) offsets(%arg15 : memref<128xi32, #tpu.memory_space<vmem>>) semaphore(%dma_start3A_523 : memref<!tpu.dma_semaphore, #tpu.memory_space<semaphore_mem>>) {add = true}
      %dma_wait3A_524 = arith.constant 1 : i32
      %dma_wait3A_525 = arith.constant 0 : i32
      %dma_wait3A_526 = arith.constant 0 : i32
      %dma_wait3A_527 = tpu.memref_slice %arg6[%dma_wait3A_525, %dma_wait3A_526] : memref<10000x128xf32, #tpu.memory_space<vmem_shared>> -> memref<128x128xf32, #tpu.memory_space<vmem_shared>>
      %dma_wait3A_528 = tpu.memref_slice %arg18[%dma_wait3A_524] : memref<3x!tpu.dma_semaphore, #tpu.memory_space<semaphore_mem>> -> memref<1x!tpu.dma_semaphore, #tpu.memory_space<semaphore_mem>>
      %dma_wait3A_529 = tpu.memref_squeeze %dma_wait3A_528 : memref<1x!tpu.dma_semaphore, #tpu.memory_space<semaphore_mem>> -> memref<!tpu.dma_semaphore, #tpu.memory_space<semaphore_mem>>
      %dma_wait3A_530 = arith.constant 0 : i32
      %dma_wait3A_531 = arith.constant 0 : i32
      %dma_wait3A_532 = tpu.memref_slice %arg6[%dma_wait3A_530, %dma_wait3A_531] : memref<10000x128xf32, #tpu.memory_space<vmem_shared>> -> memref<128x128xf32, #tpu.memory_space<vmem_shared>>
      tpu.wait_dma2 semaphore(%dma_wait3A_529 : memref<!tpu.dma_semaphore, #tpu.memory_space<semaphore_mem>>) src(%arg8 : memref<128x128xf32, #tpu.memory_space<vmem>>) dst(%dma_wait3A_532 : memref<128x128xf32, #tpu.memory_space<vmem_shared>>)
      %add3A_533 = arith.constant 2 : i32
      %add3A_534 = arith.addi %add3A_496, %add3A_533 : i32
      %mul3A_535 = arith.constant 128 : i32
      %mul3A_536 = arith.muli %add3A_534, %mul3A_535 : i32
      %add3A_537 = arith.addi %mul3A_2, %mul3A_536 : i32
      %dma_start3A_538 = arith.constant 1 : i32
      %dma_start3A_539 = tpu.memref_slice %arg4[%add3A_537] : memref<320000xi32, #tpu.memory_space<hbm>> -> memref<128xi32, #tpu.memory_space<hbm>>
      %dma_start3A_540 = tpu.memref_slice %arg20[%dma_start3A_538] : memref<3x!tpu.dma_semaphore, #tpu.memory_space<semaphore_mem>> -> memref<1x!tpu.dma_semaphore, #tpu.memory_space<semaphore_mem>>
      %dma_start3A_541 = tpu.memref_squeeze %dma_start3A_540 : memref<1x!tpu.dma_semaphore, #tpu.memory_space<semaphore_mem>> -> memref<!tpu.dma_semaphore, #tpu.memory_space<semaphore_mem>>
      %dma_start3A_542 = tpu.memref_slice %arg4[%add3A_537] : memref<320000xi32, #tpu.memory_space<hbm>> -> memref<128xi32, #tpu.memory_space<hbm>>
      tpu.enqueue_dma source(%dma_start3A_542 : memref<128xi32, #tpu.memory_space<hbm>>) target(%arg14 : memref<128xi32, #tpu.memory_space<vmem>>) target_semaphore(%dma_start3A_541 : memref<!tpu.dma_semaphore, #tpu.memory_space<semaphore_mem>>)
      %dma_wait3A_543 = arith.constant 1 : i32
      %dma_wait3A_544 = tpu.memref_slice %arg3[%mul3A_2] : memref<320000xi32, #tpu.memory_space<hbm>> -> memref<128xi32, #tpu.memory_space<hbm>>
      %dma_wait3A_545 = tpu.memref_slice %arg19[%dma_wait3A_543] : memref<3x!tpu.dma_semaphore, #tpu.memory_space<semaphore_mem>> -> memref<1x!tpu.dma_semaphore, #tpu.memory_space<semaphore_mem>>
      %dma_wait3A_546 = tpu.memref_squeeze %dma_wait3A_545 : memref<1x!tpu.dma_semaphore, #tpu.memory_space<semaphore_mem>> -> memref<!tpu.dma_semaphore, #tpu.memory_space<semaphore_mem>>
      %dma_wait3A_547 = tpu.memref_slice %arg3[%mul3A_2] : memref<320000xi32, #tpu.memory_space<hbm>> -> memref<128xi32, #tpu.memory_space<hbm>>
      tpu.wait_dma2 semaphore(%dma_wait3A_546 : memref<!tpu.dma_semaphore, #tpu.memory_space<semaphore_mem>>) src(%dma_wait3A_547 : memref<128xi32, #tpu.memory_space<hbm>>) dst(%arg11 : memref<128xi32, #tpu.memory_space<vmem>>)
      %dma_start3A_548 = arith.constant 1 : i32
      %dma_start3A_549 = arith.constant 0 : i32
      %dma_start3A_550 = arith.constant 0 : i32
      %dma_start3A_551 = tpu.memref_slice %arg2[%dma_start3A_549, %dma_start3A_550] : memref<10000x128xf32, #tpu.memory_space<hbm>> -> memref<10000x128xf32, #tpu.memory_space<hbm>>
      %dma_start3A_552 = tpu.memref_slice %arg17[%dma_start3A_548] : memref<3x!tpu.dma_semaphore, #tpu.memory_space<semaphore_mem>> -> memref<1x!tpu.dma_semaphore, #tpu.memory_space<semaphore_mem>>
      %dma_start3A_553 = tpu.memref_squeeze %dma_start3A_552 : memref<1x!tpu.dma_semaphore, #tpu.memory_space<semaphore_mem>> -> memref<!tpu.dma_semaphore, #tpu.memory_space<semaphore_mem>>
      tpu.enqueue_indirect_dma source(%dma_start3A_551 : memref<10000x128xf32, #tpu.memory_space<hbm>>) target(%arg8 : memref<128x128xf32, #tpu.memory_space<vmem>>) offsets(%arg11 : memref<128xi32, #tpu.memory_space<vmem>>) semaphore(%dma_start3A_553 : memref<!tpu.dma_semaphore, #tpu.memory_space<semaphore_mem>>)
    }
    %scan3A_209 = arith.constant 24 : i32
    %dma_wait3A_210 = arith.constant 0 : i32
    %dma_wait3A_211 = arith.constant 0 : i32
    %dma_wait3A_212 = arith.constant 0 : i32
    %dma_wait3A_213 = tpu.memref_slice %arg2[%dma_wait3A_211, %dma_wait3A_212] : memref<10000x128xf32, #tpu.memory_space<hbm>> -> memref<10000x128xf32, #tpu.memory_space<hbm>>
    %dma_wait3A_214 = tpu.memref_slice %arg17[%dma_wait3A_210] : memref<3x!tpu.dma_semaphore, #tpu.memory_space<semaphore_mem>> -> memref<1x!tpu.dma_semaphore, #tpu.memory_space<semaphore_mem>>
    %dma_wait3A_215 = tpu.memref_squeeze %dma_wait3A_214 : memref<1x!tpu.dma_semaphore, #tpu.memory_space<semaphore_mem>> -> memref<!tpu.dma_semaphore, #tpu.memory_space<semaphore_mem>>
    tpu.wait_indirect_dma semaphore(%dma_wait3A_215 : memref<!tpu.dma_semaphore, #tpu.memory_space<semaphore_mem>>) src(%dma_wait3A_213 : memref<10000x128xf32, #tpu.memory_space<hbm>>) dst(%arg7 : memref<128x128xf32, #tpu.memory_space<vmem>>)
    %dma_wait3A_216 = arith.constant 0 : i32
    %dma_wait3A_217 = tpu.memref_slice %arg4[%mul3A_2] : memref<320000xi32, #tpu.memory_space<hbm>> -> memref<128xi32, #tpu.memory_space<hbm>>
    %dma_wait3A_218 = tpu.memref_slice %arg20[%dma_wait3A_216] : memref<3x!tpu.dma_semaphore, #tpu.memory_space<semaphore_mem>> -> memref<1x!tpu.dma_semaphore, #tpu.memory_space<semaphore_mem>>
    %dma_wait3A_219 = tpu.memref_squeeze %dma_wait3A_218 : memref<1x!tpu.dma_semaphore, #tpu.memory_space<semaphore_mem>> -> memref<!tpu.dma_semaphore, #tpu.memory_space<semaphore_mem>>
    %dma_wait3A_220 = tpu.memref_slice %arg4[%mul3A_2] : memref<320000xi32, #tpu.memory_space<hbm>> -> memref<128xi32, #tpu.memory_space<hbm>>
    tpu.wait_dma2 semaphore(%dma_wait3A_219 : memref<!tpu.dma_semaphore, #tpu.memory_space<semaphore_mem>>) src(%dma_wait3A_220 : memref<128xi32, #tpu.memory_space<hbm>>) dst(%arg13 : memref<128xi32, #tpu.memory_space<vmem>>)
    %dma_start3A_221 = arith.constant 0 : i32
    %dma_start3A_222 = arith.constant 0 : i32
    %dma_start3A_223 = arith.constant 0 : i32
    %dma_start3A_224 = tpu.memref_slice %arg6[%dma_start3A_222, %dma_start3A_223] : memref<10000x128xf32, #tpu.memory_space<vmem_shared>> -> memref<10000x128xf32, #tpu.memory_space<vmem_shared>>
    %dma_start3A_225 = tpu.memref_slice %arg18[%dma_start3A_221] : memref<3x!tpu.dma_semaphore, #tpu.memory_space<semaphore_mem>> -> memref<1x!tpu.dma_semaphore, #tpu.memory_space<semaphore_mem>>
    %dma_start3A_226 = tpu.memref_squeeze %dma_start3A_225 : memref<1x!tpu.dma_semaphore, #tpu.memory_space<semaphore_mem>> -> memref<!tpu.dma_semaphore, #tpu.memory_space<semaphore_mem>>
    tpu.enqueue_indirect_dma source(%arg7 : memref<128x128xf32, #tpu.memory_space<vmem>>) target(%dma_start3A_224 : memref<10000x128xf32, #tpu.memory_space<vmem_shared>>) offsets(%arg13 : memref<128xi32, #tpu.memory_space<vmem>>) semaphore(%dma_start3A_226 : memref<!tpu.dma_semaphore, #tpu.memory_space<semaphore_mem>>) {add = true}
    %dma_wait3A_227 = arith.constant 2 : i32
    %dma_wait3A_228 = arith.constant 0 : i32
    %dma_wait3A_229 = arith.constant 0 : i32
    %dma_wait3A_230 = tpu.memref_slice %arg6[%dma_wait3A_228, %dma_wait3A_229] : memref<10000x128xf32, #tpu.memory_space<vmem_shared>> -> memref<128x128xf32, #tpu.memory_space<vmem_shared>>
    %dma_wait3A_231 = tpu.memref_slice %arg18[%dma_wait3A_227] : memref<3x!tpu.dma_semaphore, #tpu.memory_space<semaphore_mem>> -> memref<1x!tpu.dma_semaphore, #tpu.memory_space<semaphore_mem>>
    %dma_wait3A_232 = tpu.memref_squeeze %dma_wait3A_231 : memref<1x!tpu.dma_semaphore, #tpu.memory_space<semaphore_mem>> -> memref<!tpu.dma_semaphore, #tpu.memory_space<semaphore_mem>>
    %dma_wait3A_233 = arith.constant 0 : i32
    %dma_wait3A_234 = arith.constant 0 : i32
    %dma_wait3A_235 = tpu.memref_slice %arg6[%dma_wait3A_233, %dma_wait3A_234] : memref<10000x128xf32, #tpu.memory_space<vmem_shared>> -> memref<128x128xf32, #tpu.memory_space<vmem_shared>>
    tpu.wait_dma2 semaphore(%dma_wait3A_232 : memref<!tpu.dma_semaphore, #tpu.memory_space<semaphore_mem>>) src(%arg9 : memref<128x128xf32, #tpu.memory_space<vmem>>) dst(%dma_wait3A_235 : memref<128x128xf32, #tpu.memory_space<vmem_shared>>)
    %add3A_236 = arith.constant 9856 : i32
    %add3A_237 = arith.addi %mul3A_2, %add3A_236 : i32
    %dma_start3A_238 = arith.constant 2 : i32
    %dma_start3A_239 = tpu.memref_slice %arg4[%add3A_237] : memref<320000xi32, #tpu.memory_space<hbm>> -> memref<128xi32, #tpu.memory_space<hbm>>
    %dma_start3A_240 = tpu.memref_slice %arg20[%dma_start3A_238] : memref<3x!tpu.dma_semaphore, #tpu.memory_space<semaphore_mem>> -> memref<1x!tpu.dma_semaphore, #tpu.memory_space<semaphore_mem>>
    %dma_start3A_241 = tpu.memref_squeeze %dma_start3A_240 : memref<1x!tpu.dma_semaphore, #tpu.memory_space<semaphore_mem>> -> memref<!tpu.dma_semaphore, #tpu.memory_space<semaphore_mem>>
    %dma_start3A_242 = tpu.memref_slice %arg4[%add3A_237] : memref<320000xi32, #tpu.memory_space<hbm>> -> memref<128xi32, #tpu.memory_space<hbm>>
    tpu.enqueue_dma source(%dma_start3A_242 : memref<128xi32, #tpu.memory_space<hbm>>) target(%arg15 : memref<128xi32, #tpu.memory_space<vmem>>) target_semaphore(%dma_start3A_241 : memref<!tpu.dma_semaphore, #tpu.memory_space<semaphore_mem>>)
    %dma_wait3A_243 = arith.constant 2 : i32
    %dma_wait3A_244 = tpu.memref_slice %arg3[%mul3A_2] : memref<320000xi32, #tpu.memory_space<hbm>> -> memref<128xi32, #tpu.memory_space<hbm>>
    %dma_wait3A_245 = tpu.memref_slice %arg19[%dma_wait3A_243] : memref<3x!tpu.dma_semaphore, #tpu.memory_space<semaphore_mem>> -> memref<1x!tpu.dma_semaphore, #tpu.memory_space<semaphore_mem>>
    %dma_wait3A_246 = tpu.memref_squeeze %dma_wait3A_245 : memref<1x!tpu.dma_semaphore, #tpu.memory_space<semaphore_mem>> -> memref<!tpu.dma_semaphore, #tpu.memory_space<semaphore_mem>>
    %dma_wait3A_247 = tpu.memref_slice %arg3[%mul3A_2] : memref<320000xi32, #tpu.memory_space<hbm>> -> memref<128xi32, #tpu.memory_space<hbm>>
    tpu.wait_dma2 semaphore(%dma_wait3A_246 : memref<!tpu.dma_semaphore, #tpu.memory_space<semaphore_mem>>) src(%dma_wait3A_247 : memref<128xi32, #tpu.memory_space<hbm>>) dst(%arg12 : memref<128xi32, #tpu.memory_space<vmem>>)
    %dma_start3A_248 = arith.constant 2 : i32
    %dma_start3A_249 = arith.constant 0 : i32
    %dma_start3A_250 = arith.constant 0 : i32
    %dma_start3A_251 = tpu.memref_slice %arg2[%dma_start3A_249, %dma_start3A_250] : memref<10000x128xf32, #tpu.memory_space<hbm>> -> memref<10000x128xf32, #tpu.memory_space<hbm>>
    %dma_start3A_252 = tpu.memref_slice %arg17[%dma_start3A_248] : memref<3x!tpu.dma_semaphore, #tpu.memory_space<semaphore_mem>> -> memref<1x!tpu.dma_semaphore, #tpu.memory_space<semaphore_mem>>
    %dma_start3A_253 = tpu.memref_squeeze %dma_start3A_252 : memref<1x!tpu.dma_semaphore, #tpu.memory_space<semaphore_mem>> -> memref<!tpu.dma_semaphore, #tpu.memory_space<semaphore_mem>>
    tpu.enqueue_indirect_dma source(%dma_start3A_251 : memref<10000x128xf32, #tpu.memory_space<hbm>>) target(%arg9 : memref<128x128xf32, #tpu.memory_space<vmem>>) offsets(%arg12 : memref<128xi32, #tpu.memory_space<vmem>>) semaphore(%dma_start3A_253 : memref<!tpu.dma_semaphore, #tpu.memory_space<semaphore_mem>>)
    %dma_wait3A_254 = arith.constant 1 : i32
    %dma_wait3A_255 = arith.constant 0 : i32
    %dma_wait3A_256 = arith.constant 0 : i32
    %dma_wait3A_257 = tpu.memref_slice %arg2[%dma_wait3A_255, %dma_wait3A_256] : memref<10000x128xf32, #tpu.memory_space<hbm>> -> memref<10000x128xf32, #tpu.memory_space<hbm>>
    %dma_wait3A_258 = tpu.memref_slice %arg17[%dma_wait3A_254] : memref<3x!tpu.dma_semaphore, #tpu.memory_space<semaphore_mem>> -> memref<1x!tpu.dma_semaphore, #tpu.memory_space<semaphore_mem>>
    %dma_wait3A_259 = tpu.memref_squeeze %dma_wait3A_258 : memref<1x!tpu.dma_semaphore, #tpu.memory_space<semaphore_mem>> -> memref<!tpu.dma_semaphore, #tpu.memory_space<semaphore_mem>>
    tpu.wait_indirect_dma semaphore(%dma_wait3A_259 : memref<!tpu.dma_semaphore, #tpu.memory_space<semaphore_mem>>) src(%dma_wait3A_257 : memref<10000x128xf32, #tpu.memory_space<hbm>>) dst(%arg8 : memref<128x128xf32, #tpu.memory_space<vmem>>)
    %dma_wait3A_260 = arith.constant 1 : i32
    %dma_wait3A_261 = tpu.memref_slice %arg4[%mul3A_2] : memref<320000xi32, #tpu.memory_space<hbm>> -> memref<128xi32, #tpu.memory_space<hbm>>
    %dma_wait3A_262 = tpu.memref_slice %arg20[%dma_wait3A_260] : memref<3x!tpu.dma_semaphore, #tpu.memory_space<semaphore_mem>> -> memref<1x!tpu.dma_semaphore, #tpu.memory_space<semaphore_mem>>
    %dma_wait3A_263 = tpu.memref_squeeze %dma_wait3A_262 : memref<1x!tpu.dma_semaphore, #tpu.memory_space<semaphore_mem>> -> memref<!tpu.dma_semaphore, #tpu.memory_space<semaphore_mem>>
    %dma_wait3A_264 = tpu.memref_slice %arg4[%mul3A_2] : memref<320000xi32, #tpu.memory_space<hbm>> -> memref<128xi32, #tpu.memory_space<hbm>>
    tpu.wait_dma2 semaphore(%dma_wait3A_263 : memref<!tpu.dma_semaphore, #tpu.memory_space<semaphore_mem>>) src(%dma_wait3A_264 : memref<128xi32, #tpu.memory_space<hbm>>) dst(%arg14 : memref<128xi32, #tpu.memory_space<vmem>>)
    %dma_start3A_265 = arith.constant 1 : i32
    %dma_start3A_266 = arith.constant 0 : i32
    %dma_start3A_267 = arith.constant 0 : i32
    %dma_start3A_268 = tpu.memref_slice %arg6[%dma_start3A_266, %dma_start3A_267] : memref<10000x128xf32, #tpu.memory_space<vmem_shared>> -> memref<10000x128xf32, #tpu.memory_space<vmem_shared>>
    %dma_start3A_269 = tpu.memref_slice %arg18[%dma_start3A_265] : memref<3x!tpu.dma_semaphore, #tpu.memory_space<semaphore_mem>> -> memref<1x!tpu.dma_semaphore, #tpu.memory_space<semaphore_mem>>
    %dma_start3A_270 = tpu.memref_squeeze %dma_start3A_269 : memref<1x!tpu.dma_semaphore, #tpu.memory_space<semaphore_mem>> -> memref<!tpu.dma_semaphore, #tpu.memory_space<semaphore_mem>>
    tpu.enqueue_indirect_dma source(%arg8 : memref<128x128xf32, #tpu.memory_space<vmem>>) target(%dma_start3A_268 : memref<10000x128xf32, #tpu.memory_space<vmem_shared>>) offsets(%arg14 : memref<128xi32, #tpu.memory_space<vmem>>) semaphore(%dma_start3A_270 : memref<!tpu.dma_semaphore, #tpu.memory_space<semaphore_mem>>) {add = true}
    %dma_wait3A_271 = arith.constant 0 : i32
    %dma_wait3A_272 = arith.constant 0 : i32
    %dma_wait3A_273 = arith.constant 0 : i32
    %dma_wait3A_274 = tpu.memref_slice %arg6[%dma_wait3A_272, %dma_wait3A_273] : memref<10000x128xf32, #tpu.memory_space<vmem_shared>> -> memref<128x128xf32, #tpu.memory_space<vmem_shared>>
    %dma_wait3A_275 = tpu.memref_slice %arg18[%dma_wait3A_271] : memref<3x!tpu.dma_semaphore, #tpu.memory_space<semaphore_mem>> -> memref<1x!tpu.dma_semaphore, #tpu.memory_space<semaphore_mem>>
    %dma_wait3A_276 = tpu.memref_squeeze %dma_wait3A_275 : memref<1x!tpu.dma_semaphore, #tpu.memory_space<semaphore_mem>> -> memref<!tpu.dma_semaphore, #tpu.memory_space<semaphore_mem>>
    %dma_wait3A_277 = arith.constant 0 : i32
    %dma_wait3A_278 = arith.constant 0 : i32
    %dma_wait3A_279 = tpu.memref_slice %arg6[%dma_wait3A_277, %dma_wait3A_278] : memref<10000x128xf32, #tpu.memory_space<vmem_shared>> -> memref<128x128xf32, #tpu.memory_space<vmem_shared>>
    tpu.wait_dma2 semaphore(%dma_wait3A_276 : memref<!tpu.dma_semaphore, #tpu.memory_space<semaphore_mem>>) src(%arg7 : memref<128x128xf32, #tpu.memory_space<vmem>>) dst(%dma_wait3A_279 : memref<128x128xf32, #tpu.memory_space<vmem_shared>>)
    %dma_wait3A_280 = arith.constant 2 : i32
    %dma_wait3A_281 = arith.constant 0 : i32
    %dma_wait3A_282 = arith.constant 0 : i32
    %dma_wait3A_283 = tpu.memref_slice %arg2[%dma_wait3A_281, %dma_wait3A_282] : memref<10000x128xf32, #tpu.memory_space<hbm>> -> memref<10000x128xf32, #tpu.memory_space<hbm>>
    %dma_wait3A_284 = tpu.memref_slice %arg17[%dma_wait3A_280] : memref<3x!tpu.dma_semaphore, #tpu.memory_space<semaphore_mem>> -> memref<1x!tpu.dma_semaphore, #tpu.memory_space<semaphore_mem>>
    %dma_wait3A_285 = tpu.memref_squeeze %dma_wait3A_284 : memref<1x!tpu.dma_semaphore, #tpu.memory_space<semaphore_mem>> -> memref<!tpu.dma_semaphore, #tpu.memory_space<semaphore_mem>>
    tpu.wait_indirect_dma semaphore(%dma_wait3A_285 : memref<!tpu.dma_semaphore, #tpu.memory_space<semaphore_mem>>) src(%dma_wait3A_283 : memref<10000x128xf32, #tpu.memory_space<hbm>>) dst(%arg9 : memref<128x128xf32, #tpu.memory_space<vmem>>)
    %dma_wait3A_286 = arith.constant 2 : i32
    %dma_wait3A_287 = tpu.memref_slice %arg4[%mul3A_2] : memref<320000xi32, #tpu.memory_space<hbm>> -> memref<128xi32, #tpu.memory_space<hbm>>
    %dma_wait3A_288 = tpu.memref_slice %arg20[%dma_wait3A_286] : memref<3x!tpu.dma_semaphore, #tpu.memory_space<semaphore_mem>> -> memref<1x!tpu.dma_semaphore, #tpu.memory_space<semaphore_mem>>
    %dma_wait3A_289 = tpu.memref_squeeze %dma_wait3A_288 : memref<1x!tpu.dma_semaphore, #tpu.memory_space<semaphore_mem>> -> memref<!tpu.dma_semaphore, #tpu.memory_space<semaphore_mem>>
    %dma_wait3A_290 = tpu.memref_slice %arg4[%mul3A_2] : memref<320000xi32, #tpu.memory_space<hbm>> -> memref<128xi32, #tpu.memory_space<hbm>>
    tpu.wait_dma2 semaphore(%dma_wait3A_289 : memref<!tpu.dma_semaphore, #tpu.memory_space<semaphore_mem>>) src(%dma_wait3A_290 : memref<128xi32, #tpu.memory_space<hbm>>) dst(%arg15 : memref<128xi32, #tpu.memory_space<vmem>>)
    %dma_start3A_291 = arith.constant 2 : i32
    %dma_start3A_292 = arith.constant 0 : i32
    %dma_start3A_293 = arith.constant 0 : i32
    %dma_start3A_294 = tpu.memref_slice %arg6[%dma_start3A_292, %dma_start3A_293] : memref<10000x128xf32, #tpu.memory_space<vmem_shared>> -> memref<10000x128xf32, #tpu.memory_space<vmem_shared>>
    %dma_start3A_295 = tpu.memref_slice %arg18[%dma_start3A_291] : memref<3x!tpu.dma_semaphore, #tpu.memory_space<semaphore_mem>> -> memref<1x!tpu.dma_semaphore, #tpu.memory_space<semaphore_mem>>
    %dma_start3A_296 = tpu.memref_squeeze %dma_start3A_295 : memref<1x!tpu.dma_semaphore, #tpu.memory_space<semaphore_mem>> -> memref<!tpu.dma_semaphore, #tpu.memory_space<semaphore_mem>>
    tpu.enqueue_indirect_dma source(%arg9 : memref<128x128xf32, #tpu.memory_space<vmem>>) target(%dma_start3A_294 : memref<10000x128xf32, #tpu.memory_space<vmem_shared>>) offsets(%arg15 : memref<128xi32, #tpu.memory_space<vmem>>) semaphore(%dma_start3A_296 : memref<!tpu.dma_semaphore, #tpu.memory_space<semaphore_mem>>) {add = true}
    %dma_wait3A_297 = arith.constant 1 : i32
    %dma_wait3A_298 = arith.constant 0 : i32
    %dma_wait3A_299 = arith.constant 0 : i32
    %dma_wait3A_300 = tpu.memref_slice %arg6[%dma_wait3A_298, %dma_wait3A_299] : memref<10000x128xf32, #tpu.memory_space<vmem_shared>> -> memref<128x128xf32, #tpu.memory_space<vmem_shared>>
    %dma_wait3A_301 = tpu.memref_slice %arg18[%dma_wait3A_297] : memref<3x!tpu.dma_semaphore, #tpu.memory_space<semaphore_mem>> -> memref<1x!tpu.dma_semaphore, #tpu.memory_space<semaphore_mem>>
    %dma_wait3A_302 = tpu.memref_squeeze %dma_wait3A_301 : memref<1x!tpu.dma_semaphore, #tpu.memory_space<semaphore_mem>> -> memref<!tpu.dma_semaphore, #tpu.memory_space<semaphore_mem>>
    %dma_wait3A_303 = arith.constant 0 : i32
    %dma_wait3A_304 = arith.constant 0 : i32
    %dma_wait3A_305 = tpu.memref_slice %arg6[%dma_wait3A_303, %dma_wait3A_304] : memref<10000x128xf32, #tpu.memory_space<vmem_shared>> -> memref<128x128xf32, #tpu.memory_space<vmem_shared>>
    tpu.wait_dma2 semaphore(%dma_wait3A_302 : memref<!tpu.dma_semaphore, #tpu.memory_space<semaphore_mem>>) src(%arg8 : memref<128x128xf32, #tpu.memory_space<vmem>>) dst(%dma_wait3A_305 : memref<128x128xf32, #tpu.memory_space<vmem_shared>>)
    %add3A_306 = arith.constant 9984 : i32
    %add3A_307 = arith.addi %mul3A_2, %add3A_306 : i32
    "tpu.region"() ({
      %run_scoped3A = tpu.sem_alloc : memref<!tpu.dma_semaphore, #tpu.memory_space<semaphore_mem>>
      %dma_start3A_372 = arith.constant 0 : i32
      %dma_start3A_373 = tpu.memref_slice %arg10[%dma_start3A_372] : memref<128xi32, #tpu.memory_space<vmem>> -> memref<16xi32, #tpu.memory_space<vmem>>
      %dma_start3A_374 = tpu.memref_slice %arg3[%add3A_307] : memref<320000xi32, #tpu.memory_space<hbm>> -> memref<16xi32, #tpu.memory_space<hbm>>
      %dma_start3A_375 = arith.constant 0 : i32
      %dma_start3A_376 = tpu.memref_slice %arg10[%dma_start3A_375] : memref<128xi32, #tpu.memory_space<vmem>> -> memref<16xi32, #tpu.memory_space<vmem>>
      %dma_start3A_377 = tpu.memref_slice %arg3[%add3A_307] : memref<320000xi32, #tpu.memory_space<hbm>> -> memref<16xi32, #tpu.memory_space<hbm>>
      tpu.enqueue_dma source(%dma_start3A_377 : memref<16xi32, #tpu.memory_space<hbm>>) target(%dma_start3A_376 : memref<16xi32, #tpu.memory_space<vmem>>) target_semaphore(%run_scoped3A : memref<!tpu.dma_semaphore, #tpu.memory_space<semaphore_mem>>)
      %dma_wait3A_378 = arith.constant 0 : i32
      %dma_wait3A_379 = tpu.memref_slice %arg10[%dma_wait3A_378] : memref<128xi32, #tpu.memory_space<vmem>> -> memref<16xi32, #tpu.memory_space<vmem>>
      %dma_wait3A_380 = tpu.memref_slice %arg3[%add3A_307] : memref<320000xi32, #tpu.memory_space<hbm>> -> memref<16xi32, #tpu.memory_space<hbm>>
      %dma_wait3A_381 = arith.constant 0 : i32
      %dma_wait3A_382 = tpu.memref_slice %arg10[%dma_wait3A_381] : memref<128xi32, #tpu.memory_space<vmem>> -> memref<16xi32, #tpu.memory_space<vmem>>
      %dma_wait3A_383 = tpu.memref_slice %arg3[%add3A_307] : memref<320000xi32, #tpu.memory_space<hbm>> -> memref<16xi32, #tpu.memory_space<hbm>>
      tpu.wait_dma2 semaphore(%run_scoped3A : memref<!tpu.dma_semaphore, #tpu.memory_space<semaphore_mem>>) src(%dma_wait3A_383 : memref<16xi32, #tpu.memory_space<hbm>>) dst(%dma_wait3A_382 : memref<16xi32, #tpu.memory_space<vmem>>)
      tpu.yield
    }) : () -> ()
    "tpu.region"() ({
      %run_scoped3A = tpu.sem_alloc : memref<!tpu.dma_semaphore, #tpu.memory_space<semaphore_mem>>
      %dma_start3A_372 = tpu.memref_slice %arg4[%add3A_307] : memref<320000xi32, #tpu.memory_space<hbm>> -> memref<16xi32, #tpu.memory_space<hbm>>
      %dma_start3A_373 = tpu.memref_slice %arg4[%add3A_307] : memref<320000xi32, #tpu.memory_space<hbm>> -> memref<16xi32, #tpu.memory_space<hbm>>
      tpu.enqueue_dma source(%dma_start3A_373 : memref<16xi32, #tpu.memory_space<hbm>>) target(%arg16 : memref<16xi32, #tpu.memory_space<vmem>>) target_semaphore(%run_scoped3A : memref<!tpu.dma_semaphore, #tpu.memory_space<semaphore_mem>>)
      %dma_wait3A_374 = tpu.memref_slice %arg4[%add3A_307] : memref<320000xi32, #tpu.memory_space<hbm>> -> memref<16xi32, #tpu.memory_space<hbm>>
      %dma_wait3A_375 = tpu.memref_slice %arg4[%add3A_307] : memref<320000xi32, #tpu.memory_space<hbm>> -> memref<16xi32, #tpu.memory_space<hbm>>
      tpu.wait_dma2 semaphore(%run_scoped3A : memref<!tpu.dma_semaphore, #tpu.memory_space<semaphore_mem>>) src(%dma_wait3A_375 : memref<16xi32, #tpu.memory_space<hbm>>) dst(%arg16 : memref<16xi32, #tpu.memory_space<vmem>>)
      tpu.yield
    }) : () -> ()
    %dma_start3A_308 = arith.constant 0 : i32
    %dma_start3A_309 = arith.constant 0 : i32
    %dma_start3A_310 = arith.constant 0 : i32
    %dma_start3A_311 = tpu.memref_slice %arg7[%dma_start3A_309, %dma_start3A_310] : memref<128x128xf32, #tpu.memory_space<vmem>> -> memref<16x128xf32, #tpu.memory_space<vmem>>
    %dma_start3A_312 = arith.constant 0 : i32
    %dma_start3A_313 = tpu.memref_slice %arg10[%dma_start3A_312] : memref<128xi32, #tpu.memory_space<vmem>> -> memref<16xi32, #tpu.memory_space<vmem>>
    %dma_start3A_314 = arith.constant 0 : i32
    %dma_start3A_315 = arith.constant 0 : i32
    %dma_start3A_316 = tpu.memref_slice %arg2[%dma_start3A_314, %dma_start3A_315] : memref<10000x128xf32, #tpu.memory_space<hbm>> -> memref<10000x128xf32, #tpu.memory_space<hbm>>
    %dma_start3A_317 = tpu.memref_slice %arg17[%dma_start3A_308] : memref<3x!tpu.dma_semaphore, #tpu.memory_space<semaphore_mem>> -> memref<1x!tpu.dma_semaphore, #tpu.memory_space<semaphore_mem>>
    %dma_start3A_318 = tpu.memref_squeeze %dma_start3A_317 : memref<1x!tpu.dma_semaphore, #tpu.memory_space<semaphore_mem>> -> memref<!tpu.dma_semaphore, #tpu.memory_space<semaphore_mem>>
    tpu.enqueue_indirect_dma source(%dma_start3A_316 : memref<10000x128xf32, #tpu.memory_space<hbm>>) target(%dma_start3A_311 : memref<16x128xf32, #tpu.memory_space<vmem>>) offsets(%dma_start3A_313 : memref<16xi32, #tpu.memory_space<vmem>>) semaphore(%dma_start3A_318 : memref<!tpu.dma_semaphore, #tpu.memory_space<semaphore_mem>>)
    %dma_wait3A_319 = arith.constant 0 : i32
    %dma_wait3A_320 = arith.constant 0 : i32
    %dma_wait3A_321 = arith.constant 0 : i32
    %dma_wait3A_322 = tpu.memref_slice %arg7[%dma_wait3A_320, %dma_wait3A_321] : memref<128x128xf32, #tpu.memory_space<vmem>> -> memref<16x128xf32, #tpu.memory_space<vmem>>
    %dma_wait3A_323 = arith.constant 0 : i32
    %dma_wait3A_324 = tpu.memref_slice %arg10[%dma_wait3A_323] : memref<128xi32, #tpu.memory_space<vmem>> -> memref<16xi32, #tpu.memory_space<vmem>>
    %dma_wait3A_325 = arith.constant 0 : i32
    %dma_wait3A_326 = arith.constant 0 : i32
    %dma_wait3A_327 = tpu.memref_slice %arg2[%dma_wait3A_325, %dma_wait3A_326] : memref<10000x128xf32, #tpu.memory_space<hbm>> -> memref<10000x128xf32, #tpu.memory_space<hbm>>
    %dma_wait3A_328 = tpu.memref_slice %arg17[%dma_wait3A_319] : memref<3x!tpu.dma_semaphore, #tpu.memory_space<semaphore_mem>> -> memref<1x!tpu.dma_semaphore, #tpu.memory_space<semaphore_mem>>
    %dma_wait3A_329 = tpu.memref_squeeze %dma_wait3A_328 : memref<1x!tpu.dma_semaphore, #tpu.memory_space<semaphore_mem>> -> memref<!tpu.dma_semaphore, #tpu.memory_space<semaphore_mem>>
    tpu.wait_indirect_dma semaphore(%dma_wait3A_329 : memref<!tpu.dma_semaphore, #tpu.memory_space<semaphore_mem>>) src(%dma_wait3A_327 : memref<10000x128xf32, #tpu.memory_space<hbm>>) dst(%dma_wait3A_322 : memref<16x128xf32, #tpu.memory_space<vmem>>)
    %dma_start3A_330 = arith.constant 0 : i32
    %dma_start3A_331 = arith.constant 0 : i32
    %dma_start3A_332 = arith.constant 0 : i32
    %dma_start3A_333 = tpu.memref_slice %arg7[%dma_start3A_331, %dma_start3A_332] : memref<128x128xf32, #tpu.memory_space<vmem>> -> memref<16x128xf32, #tpu.memory_space<vmem>>
    %dma_start3A_334 = arith.constant 0 : i32
    %dma_start3A_335 = arith.constant 0 : i32
    %dma_start3A_336 = tpu.memref_slice %arg6[%dma_start3A_334, %dma_start3A_335] : memref<10000x128xf32, #tpu.memory_space<vmem_shared>> -> memref<10000x128xf32, #tpu.memory_space<vmem_shared>>
    %dma_start3A_337 = tpu.memref_slice %arg18[%dma_start3A_330] : memref<3x!tpu.dma_semaphore, #tpu.memory_space<semaphore_mem>> -> memref<1x!tpu.dma_semaphore, #tpu.memory_space<semaphore_mem>>
    %dma_start3A_338 = tpu.memref_squeeze %dma_start3A_337 : memref<1x!tpu.dma_semaphore, #tpu.memory_space<semaphore_mem>> -> memref<!tpu.dma_semaphore, #tpu.memory_space<semaphore_mem>>
    tpu.enqueue_indirect_dma source(%dma_start3A_333 : memref<16x128xf32, #tpu.memory_space<vmem>>) target(%dma_start3A_336 : memref<10000x128xf32, #tpu.memory_space<vmem_shared>>) offsets(%arg16 : memref<16xi32, #tpu.memory_space<vmem>>) semaphore(%dma_start3A_338 : memref<!tpu.dma_semaphore, #tpu.memory_space<semaphore_mem>>) {add = true}
    %dma_wait3A_339 = arith.constant 2 : i32
    %dma_wait3A_340 = arith.constant 0 : i32
    %dma_wait3A_341 = arith.constant 0 : i32
    %dma_wait3A_342 = tpu.memref_slice %arg6[%dma_wait3A_340, %dma_wait3A_341] : memref<10000x128xf32, #tpu.memory_space<vmem_shared>> -> memref<128x128xf32, #tpu.memory_space<vmem_shared>>
    %dma_wait3A_343 = tpu.memref_slice %arg18[%dma_wait3A_339] : memref<3x!tpu.dma_semaphore, #tpu.memory_space<semaphore_mem>> -> memref<1x!tpu.dma_semaphore, #tpu.memory_space<semaphore_mem>>
    %dma_wait3A_344 = tpu.memref_squeeze %dma_wait3A_343 : memref<1x!tpu.dma_semaphore, #tpu.memory_space<semaphore_mem>> -> memref<!tpu.dma_semaphore, #tpu.memory_space<semaphore_mem>>
    %dma_wait3A_345 = arith.constant 0 : i32
    %dma_wait3A_346 = arith.constant 0 : i32
    %dma_wait3A_347 = tpu.memref_slice %arg6[%dma_wait3A_345, %dma_wait3A_346] : memref<10000x128xf32, #tpu.memory_space<vmem_shared>> -> memref<128x128xf32, #tpu.memory_space<vmem_shared>>
    tpu.wait_dma2 semaphore(%dma_wait3A_344 : memref<!tpu.dma_semaphore, #tpu.memory_space<semaphore_mem>>) src(%arg9 : memref<128x128xf32, #tpu.memory_space<vmem>>) dst(%dma_wait3A_347 : memref<128x128xf32, #tpu.memory_space<vmem_shared>>)
    %dma_wait3A_348 = arith.constant 0 : i32
    %dma_wait3A_349 = arith.constant 0 : i32
    %dma_wait3A_350 = arith.constant 0 : i32
    %dma_wait3A_351 = tpu.memref_slice %arg7[%dma_wait3A_349, %dma_wait3A_350] : memref<128x128xf32, #tpu.memory_space<vmem>> -> memref<16x128xf32, #tpu.memory_space<vmem>>
    %dma_wait3A_352 = arith.constant 0 : i32
    %dma_wait3A_353 = arith.constant 0 : i32
    %dma_wait3A_354 = tpu.memref_slice %arg6[%dma_wait3A_352, %dma_wait3A_353] : memref<10000x128xf32, #tpu.memory_space<vmem_shared>> -> memref<16x128xf32, #tpu.memory_space<vmem_shared>>
    %dma_wait3A_355 = tpu.memref_slice %arg18[%dma_wait3A_348] : memref<3x!tpu.dma_semaphore, #tpu.memory_space<semaphore_mem>> -> memref<1x!tpu.dma_semaphore, #tpu.memory_space<semaphore_mem>>
    %dma_wait3A_356 = tpu.memref_squeeze %dma_wait3A_355 : memref<1x!tpu.dma_semaphore, #tpu.memory_space<semaphore_mem>> -> memref<!tpu.dma_semaphore, #tpu.memory_space<semaphore_mem>>
    %dma_wait3A_357 = arith.constant 0 : i32
    %dma_wait3A_358 = arith.constant 0 : i32
    %dma_wait3A_359 = tpu.memref_slice %arg6[%dma_wait3A_357, %dma_wait3A_358] : memref<10000x128xf32, #tpu.memory_space<vmem_shared>> -> memref<16x128xf32, #tpu.memory_space<vmem_shared>>
    %dma_wait3A_360 = arith.constant 0 : i32
    %dma_wait3A_361 = arith.constant 0 : i32
    %dma_wait3A_362 = tpu.memref_slice %arg7[%dma_wait3A_360, %dma_wait3A_361] : memref<128x128xf32, #tpu.memory_space<vmem>> -> memref<16x128xf32, #tpu.memory_space<vmem>>
    tpu.wait_dma2 semaphore(%dma_wait3A_356 : memref<!tpu.dma_semaphore, #tpu.memory_space<semaphore_mem>>) src(%dma_wait3A_362 : memref<16x128xf32, #tpu.memory_space<vmem>>) dst(%dma_wait3A_359 : memref<16x128xf32, #tpu.memory_space<vmem_shared>>)
    %barrier3A_363 = arith.constant 0 : index
    tpu.barrier barrier_id(%barrier3A_363)
    %mul3A_364 = arith.constant 10000 : i32
    %mul3A_365 = arith.muli %arg0, %mul3A_364 : i32
    %add3A_366 = arith.addi %mul3A_365, %mul3A_59 : i32
    "tpu.region"() ({
      %run_scoped3A = tpu.sem_alloc : memref<!tpu.dma_semaphore, #tpu.memory_space<semaphore_mem>>
      %dma_start3A_372 = arith.constant 0 : i32
      %dma_start3A_373 = tpu.memref_slice %arg5[%add3A_366, %dma_start3A_372] : memref<20000x128xf32, #tpu.memory_space<hbm>> -> memref<624x128xf32, #tpu.memory_space<hbm>>
      %dma_start3A_374 = arith.constant 0 : i32
      %dma_start3A_375 = tpu.memref_slice %arg6[%mul3A_59, %dma_start3A_374] : memref<10000x128xf32, #tpu.memory_space<vmem_shared>> -> memref<624x128xf32, #tpu.memory_space<vmem_shared>>
      tpu.enqueue_dma source(%dma_start3A_375 : memref<624x128xf32, #tpu.memory_space<vmem_shared>>) target(%dma_start3A_373 : memref<624x128xf32, #tpu.memory_space<hbm>>) target_semaphore(%run_scoped3A : memref<!tpu.dma_semaphore, #tpu.memory_space<semaphore_mem>>)
      %dma_wait3A_376 = arith.constant 0 : i32
      %dma_wait3A_377 = tpu.memref_slice %arg5[%add3A_366, %dma_wait3A_376] : memref<20000x128xf32, #tpu.memory_space<hbm>> -> memref<624x128xf32, #tpu.memory_space<hbm>>
      %dma_wait3A_378 = arith.constant 0 : i32
      %dma_wait3A_379 = tpu.memref_slice %arg6[%mul3A_59, %dma_wait3A_378] : memref<10000x128xf32, #tpu.memory_space<vmem_shared>> -> memref<624x128xf32, #tpu.memory_space<vmem_shared>>
      tpu.wait_dma2 semaphore(%run_scoped3A : memref<!tpu.dma_semaphore, #tpu.memory_space<semaphore_mem>>) src(%dma_wait3A_379 : memref<624x128xf32, #tpu.memory_space<vmem_shared>>) dst(%dma_wait3A_377 : memref<624x128xf32, #tpu.memory_space<hbm>>)
      tpu.yield
    }) : () -> ()
    %eq3A_367 = arith.constant 15 : i32
    %eq3A_368 = arith.cmpi eq, %arg1, %eq3A_367 : i32
    %convert_element_type3A_369 = arith.extui %eq3A_368 : i1 to i32
    %cond3A_370 = arith.constant 0 : i32
    %cond3A_371 = arith.cmpi ne, %convert_element_type3A_369, %cond3A_370 : i32
    scf.if %cond3A_371 {
      %mul3A_372 = arith.constant 10000 : i32
      %mul3A_373 = arith.muli %arg0, %mul3A_372 : i32
      %add3A_374 = arith.constant 9984 : i32
      %add3A_375 = arith.addi %mul3A_373, %add3A_374 : i32
      "tpu.region"() ({
        %run_scoped3A = tpu.sem_alloc : memref<!tpu.dma_semaphore, #tpu.memory_space<semaphore_mem>>
        %dma_start3A_376 = arith.constant 0 : i32
        %dma_start3A_377 = tpu.memref_slice %arg5[%add3A_375, %dma_start3A_376] : memref<20000x128xf32, #tpu.memory_space<hbm>> -> memref<16x128xf32, #tpu.memory_space<hbm>>
        %dma_start3A_378 = arith.constant 9984 : i32
        %dma_start3A_379 = arith.constant 0 : i32
        %dma_start3A_380 = tpu.memref_slice %arg6[%dma_start3A_378, %dma_start3A_379] : memref<10000x128xf32, #tpu.memory_space<vmem_shared>> -> memref<16x128xf32, #tpu.memory_space<vmem_shared>>
        tpu.enqueue_dma source(%dma_start3A_380 : memref<16x128xf32, #tpu.memory_space<vmem_shared>>) target(%dma_start3A_377 : memref<16x128xf32, #tpu.memory_space<hbm>>) target_semaphore(%run_scoped3A : memref<!tpu.dma_semaphore, #tpu.memory_space<semaphore_mem>>)
        %dma_wait3A_381 = arith.constant 0 : i32
        %dma_wait3A_382 = tpu.memref_slice %arg5[%add3A_375, %dma_wait3A_381] : memref<20000x128xf32, #tpu.memory_space<hbm>> -> memref<16x128xf32, #tpu.memory_space<hbm>>
        %dma_wait3A_383 = arith.constant 9984 : i32
        %dma_wait3A_384 = arith.constant 0 : i32
        %dma_wait3A_385 = tpu.memref_slice %arg6[%dma_wait3A_383, %dma_wait3A_384] : memref<10000x128xf32, #tpu.memory_space<vmem_shared>> -> memref<16x128xf32, #tpu.memory_space<vmem_shared>>
        tpu.wait_dma2 semaphore(%run_scoped3A : memref<!tpu.dma_semaphore, #tpu.memory_space<semaphore_mem>>) src(%dma_wait3A_385 : memref<16x128xf32, #tpu.memory_space<vmem_shared>>) dst(%dma_wait3A_382 : memref<16x128xf32, #tpu.memory_space<hbm>>)
        tpu.yield
      }) : () -> ()
    } else {
    }
    return
  }
}

module attributes {stable_mosaic.version = 14 : i64} {
  func.func @_combine_body(%arg0: i32, %arg1: memref<1000x128xf32, #tpu.memory_space<vmem>>, %arg2: memref<1000x128xf32, #tpu.memory_space<vmem>>, %arg3: memref<1000x128xf32, #tpu.memory_space<vmem>>, %arg4: memref<1000x128xf32, #tpu.memory_space<vmem>>) attributes {dimension_semantics = [#tpu.dimension_semantics<arbitrary>], iteration_bounds = array<i64: 10>, scalar_prefetch = 0 : i64, scratch_operands = 0 : i64, tpu.core_type = #tpu.core_type<tc>, window_params = [{transform_indices = @transform_0, window_bounds = array<i64: 1000, 128>}, {transform_indices = @transform_1, window_bounds = array<i64: 1000, 128>}, {transform_indices = @transform_2, window_bounds = array<i64: 1000, 128>}, {transform_indices = @transform_3, window_bounds = array<i64: 1000, 128>}]} {
    %get3A = arith.constant 0 : index
    %get3A_0 = arith.constant 0 : index
    %get3A_1 = vector.load %arg1[%get3A, %get3A_0] : memref<1000x128xf32, #tpu.memory_space<vmem>>, vector<1000x128xf32>
    %get3A_2 = arith.constant 0 : index
    %get3A_3 = arith.constant 0 : index
    %get3A_4 = vector.load %arg2[%get3A_2, %get3A_3] : memref<1000x128xf32, #tpu.memory_space<vmem>>, vector<1000x128xf32>
    %add3A = arith.addf %get3A_1, %get3A_4 : vector<1000x128xf32>
    %get3A_5 = arith.constant 0 : index
    %get3A_6 = arith.constant 0 : index
    %get3A_7 = vector.load %arg3[%get3A_5, %get3A_6] : memref<1000x128xf32, #tpu.memory_space<vmem>>, vector<1000x128xf32>
    %sub3A = arith.subf %add3A, %get3A_7 : vector<1000x128xf32>
    %swap3A = arith.constant 0 : index
    %swap3A_8 = arith.constant 0 : index
    %swap3A_9 = vector.load %arg4[%swap3A, %swap3A_8] : memref<1000x128xf32, #tpu.memory_space<vmem>>, vector<1000x128xf32>
    tpu.vector_store %arg4[%swap3A, %swap3A_8], %sub3A {strides = array<i32>} : memref<1000x128xf32, #tpu.memory_space<vmem>>, vector<1000x128xf32>,
    return
  }
  func.func @transform_0(%arg0: i32) -> (i32, i32) {
    %c0_i32 = arith.constant 0 : i32
    %c0_i32_0 = arith.constant 0 : i32
    return %arg0, %c0_i32 : i32, i32
  }
  func.func @transform_1(%arg0: i32) -> (i32, i32) {
    %add3A = arith.constant 10 : i32
    %add3A_0 = arith.addi %arg0, %add3A : i32
    %c0_i32 = arith.constant 0 : i32
    %c0_i32_1 = arith.constant 0 : i32
    return %add3A_0, %c0_i32 : i32, i32
  }
  func.func @transform_2(%arg0: i32) -> (i32, i32) {
    %c0_i32 = arith.constant 0 : i32
    %c0_i32_0 = arith.constant 0 : i32
    return %arg0, %c0_i32 : i32, i32
  }
  func.func @transform_3(%arg0: i32) -> (i32, i32) {
    %c0_i32 = arith.constant 0 : i32
    %c0_i32_0 = arith.constant 0 : i32
    return %arg0, %c0_i32 : i32, i32
  }
}

</mosaic_0001>

<sc_bundles>
// kernel: kernel.4.cloned.1.call-start
scs
__scs_entry_jumppad:
0x0: {  	(pc) =	sbr.rel $0x88, $3  }
0x1: {  	(tag) =	ssettag $0x0;
	lr =	simm.s32 $0x1  }
0x2: {  	[smem:$0x3F9F] =	sst lr;
	_ =	strace $0xD0000000  }
0x3: {  	_ = 	snop  }
0x4: {  	_ = 	snop  }
0x5: {  	_ = 	snop  }
0x6: {  	_ = 	snop  }
0x7: {  	_ = 	snop  }
__scs_overlays_trampoline_lowered:
0x8: {  	[smem:$0x3FAE] =	sst s0  }
0x9: {  	[smem:$0x3FAF] =	sst s1  }
0xa: {  	[smem:$0x3FB0] =	sst s2  }
0xb: {  	[smem:$0x3FB1] =	sst s3  }
0xc: {  	[smem:$0x3FB2] =	sst s4  }
0xd: {  	[smem:$0x3FB3] =	sst s5  }
0xe: {  	[smem:$0x3FB4] =	sst s6  }
0xf: {  	[smem:$0x3FB5] =	sst s7  }
0x10: {  	[smem:$0x3FB6] =	sst s8  }
0x11: {  	[smem:$0x3FB7] =	sst s9;
	s0 =	simm.s32 @!p0 $0x0  }
0x12: {  	s1 =	sld [smem:$0x3F9D];
	s0 =	simm.s32 @p0 $0x1  }
0x13: {  	[smem:$0x3FB8] =	sst s0;
	s0 =	simm.s32 @!p1 $0x0  }
0x14: {  	s2 =	sld [smem:$0x3F9C];
	s0 =	simm.s32 @p1 $0x1  }
0x15: {  	[smem:$0x3FB9] =	sst s0;
	s0 =	simm.s32 @!p2 $0x0  }
0x16: {  	s3 =	sld [smem:$0x3FDB];
	s0 =	simm.s32 @p2 $0x1  }
0x17: {  	s4 =	simm.s32 $0x1BF5;
	[smem:$0x3FBB] =	sst s0  }
0x18: {  	s0 =	sld [smem:$0x3F9E];
	_ =	swait.ge [sflag:s4], $0x0  }
0x19: {  	s7 =	sld [smem:$0x3F9F]  }
0x1a: {  	s8 =	sadd.s32 $0xFFFFE003, lr  }
0x1b: {  	s9 =	sadd.s32 $0xFFFFFEF7, lr;
	s5 =	simm.s32 $0xFFFFFFFF;
	p2 =	slt.u32 s8, $0xFFFFF086  }
0x1c: {  	p1 =	slt.u32 s9, $0xF7A;
	s5 =	simm.s32 @!p2 $0x0  }
0x1d: {  	s5 =	simm.s32 @p1 $0x1;
	p0 =	seq.s32 s7, s2  }
0x1e: {  	s7 =	smul.u32 @!p0 $0xF7A, s2;
	p2 =	seq.s32 @!p0 s5, $0x0  }
0x1f: {  	s9 =	smul.u32 $0xF7A, s1;
	s8 =	simm.s32 @!p0 $0x1BF5;
	p2 =	por !p2, p0  }
0x20: {  	[sflag:s8] =	ssyncset.s32 @!p0 $0xFFFFF086;
	s6 =	sadd.s32 @!p0 s3, s7;
	s7 =	simm.s32 @!p0 $0x108  }
0x21: {  	s3 =	sadd.s32 s3, s9;
	s6 =	sadd.s32 @!p0 $0x88, s6;
	s7 =	simm.s32 @p2 $0x1082  }
0x22: {  	[simem:s7], [sflag:s8] =	dma.local @!p0 [hbm:s6], $0xF7A  }
0x23: {  	s9 =	sor.u32 $0xD0000000, s2;
	s6 =	simm.s32 $0x108;
	_ =	swait.ge @!p0 [sflag:s8], $0x0  }
0x24: {  	s3 =	sadd.s32 $0x88, s3;
	s6 =	simm.s32 @!p1 $0x1082;
	[sflag:s4] =	ssyncset.s32 $0xFFFFF086  }
0x25: {  	[simem:s6], [sflag:s4] =	dma.local [hbm:s3], $0xF7A  }
0x26: {  	[smem:$0x3F9F] =	sst s1;
	(tag) =	ssettag s2;
	_ =	strace s9  }
0x27: {  	s1 =	sld [smem:$0x3FAF]  }
0x28: {  	s2 =	sld [smem:$0x3FB0]  }
0x29: {  	s4 =	sld [smem:$0x3FB2]  }
0x2a: {  	p0 =	seq.s32 s5, $0x0;
	s5 =	sld [smem:$0x3FB3]  }
0x2b: {  	s6 =	sld [smem:$0x3FB4]  }
0x2c: {  	s7 =	sld [smem:$0x3FB5]  }
0x2d: {  	s3 =	simm.s32 $0x108;
	s8 =	sld [smem:$0x3FB6]  }
0x2e: {  	s3 =	simm.s32 @!p0 $0x1082;
	s9 =	sld [smem:$0x3FB7]  }
0x2f: {  	lr =	sadd.s32 s0, s3;
	s0 =	sld [smem:$0x3FAE]  }
0x30: {  	s3 =	sld [smem:$0x3FB1]  }
0x31: {  	[smem:$0x3FBA] =	sst s10  }
0x32: {  	s10 =	sld [smem:$0x3FB8];
	_ =	sdelay $0x3  }
0x33: {  	p0 =	seq.s32 s10, $0x1;
	s10 =	sld [smem:$0x3FBA];
	_ =	sdelay $0x3  }
0x34: {  	[smem:$0x3FBA] =	sst s10  }
0x35: {  	s10 =	sld [smem:$0x3FB9];
	_ =	sdelay $0x3  }
0x36: {  	p1 =	seq.s32 s10, $0x1;
	s10 =	sld [smem:$0x3FBA];
	_ =	sdelay $0x3  }
0x37: {  	[smem:$0x3FBA] =	sst s10  }
0x38: {  	s10 =	sld [smem:$0x3FBB]  }
0x39: {  	_ = 	snop;
	(pc) =	sbr.ind lr, $3  }
0x3a: {  	_ = 	snop  }
0x3b: {  	_ = 	snop  }
0x3c: {  	p2 =	seq.s32 s10, $0x1;
	s10 =	sld [smem:$0x3FBA]  }
0x3d: {  	_ =	shalt  }
0x3e: {  	_ =	shalt  }
0x3f: {  	_ =	shalt  }
0x40: {  	_ =	shalt  }
0x41: {  	_ =	shalt  }
0x42: {  	_ =	shalt  }
0x43: {  	_ =	shalt  }
0x44: {  	_ =	shalt  }
0x45: {  	_ =	shalt  }
0x46: {  	_ =	shalt  }
0x47: {  	_ =	shalt  }
0x48: {  	_ =	shalt  }
0x49: {  	_ =	shalt  }
0x4a: {  	_ =	shalt  }
0x4b: {  	_ =	shalt  }
0x4c: {  	_ =	shalt  }
0x4d: {  	_ =	shalt  }
0x4e: {  	_ =	shalt  }
0x4f: {  	_ =	shalt  }
0x50: {  	_ =	shalt  }
0x51: {  	_ =	shalt  }
0x52: {  	_ =	shalt  }
0x53: {  	_ =	shalt  }
0x54: {  	_ =	shalt  }
0x55: {  	_ =	shalt  }
0x56: {  	_ =	shalt  }
0x57: {  	_ =	shalt  }
0x58: {  	_ =	shalt  }
0x59: {  	_ =	shalt  }
0x5a: {  	_ =	shalt  }
0x5b: {  	_ =	shalt  }
0x5c: {  	_ =	shalt  }
0x5d: {  	_ =	shalt  }
0x5e: {  	_ =	shalt  }
0x5f: {  	_ =	shalt  }
0x60: {  	_ =	shalt  }
0x61: {  	_ =	shalt  }
0x62: {  	_ =	shalt  }
0x63: {  	_ =	shalt  }
0x64: {  	_ =	shalt  }
0x65: {  	_ =	shalt  }
0x66: {  	_ =	shalt  }
0x67: {  	_ =	shalt  }
0x68: {  	_ =	shalt  }
0x69: {  	_ =	shalt  }
0x6a: {  	_ =	shalt  }
0x6b: {  	_ =	shalt  }
0x6c: {  	_ =	shalt  }
0x6d: {  	_ =	shalt  }
0x6e: {  	_ =	shalt  }
0x6f: {  	_ =	shalt  }
0x70: {  	_ =	shalt  }
0x71: {  	_ =	shalt  }
0x72: {  	_ =	shalt  }
0x73: {  	_ =	shalt  }
0x74: {  	_ =	shalt  }
0x75: {  	_ =	shalt  }
0x76: {  	_ =	shalt  }
0x77: {  	_ =	shalt  }
0x78: {  	_ =	shalt  }
0x79: {  	_ =	shalt  }
0x7a: {  	_ =	shalt  }
0x7b: {  	_ =	shalt  }
0x7c: {  	_ =	shalt  }
0x7d: {  	_ =	shalt  }
0x7e: {  	_ =	shalt  }
0x7f: {  	_ =	shalt  }
0x80: {  	_ =	shalt  }
0x81: {  	_ =	shalt  }
0x82: {  	_ =	shalt  }
0x83: {  	_ =	shalt  }
0x84: {  	_ =	shalt  }
0x85: {  	_ =	shalt  }
0x86: {  	_ =	shalt  }
0x87: {  	_ =	shalt  }
.Lfunc_end0:
.L_simem_size_0:
called_computation_lowered:
.L_overlay_start_0:
0x88: {  	s2 =	sld [smem:$0x3FD9]  }
0x89: {  	s3 =	sld [smem:$0x3FFE];
	_ =	sdelay $0x1  }
0x8a: {  	s1 =	srdreg.scid  }
0x8b: {  	s0 =	sand.u32 $0x1, s1  }
0x8c: {  	s17 =	sshll.u32 s0, $0xA;
	s2 =	sadd.s32 s3, s2  }
0x8d: {  	s2 =	sadd.s32 s2, s17  }
0x8e: {  	[smem:$0x3FC6] =	sst s2  }
0x8f: {  	_ = 	snop  }
0x90: {  	s2 =	sld [smem:$0x3FC9]  }
0x91: {  	s18 =	sld [smem:$0x3FD0];
	(tm) =	ssettm $0x1  }
0x92: {  	s4 =	sld [smem:$0x3FFB];
	_ =	sdelay $0x3  }
0x93: {  	_ =	strace s4  }
0x94: {  	s4 =	sld [smem:$0x3FFC];
	_ =	sdelay $0x3  }
0x95: {  	_ =	strace s4  }
0x96: {  	s4 =	sld [smem:$0x3FFD];
	_ =	sdelay $0x3  }
0x97: {  	_ =	strace s4  }
0x98: {  	_ =	strace $0x8FFFFFFF  }
0x99: {  	s19 =	sld [smem:$0x3FDB];
	_ =	sdelay $0x1  }
0x9a: {  	s5 =	simm.s32 $_scs_section_size  }
0x9b: {  	s6 =	simm.s32 $_size__tile_overlayer_lowered;
	s7 =	simm.s32 $_tile_overlayer_lowered  }
0x9c: {  	s22 =	simm.s32 $0x1BFF;
	s21 =	sshll.u32 s7, $0x1;
	s4 =	sadd.s32 s5, s19  }
0x9d: {  	s8 =	simm.s32 $0x0;
	s20 =	sshll.u32 s6, $0x1;
	s6 =	sadd.s32 s21, s4  }
0x9e: {  	[timem:s8], [sflag:s22] =	dma.local [hbm:s6], s20  }
0x9f: {  	_ =	swait.ge [sflag:s22], s20  }
0xa0: {  	s5 =	ssub.s32 $0x0, s20;
	[sflag:s22] =	ssyncset.done $0x0  }
0xa1: {  	[sflag:s22] =	ssyncadd.s32 s5;
	_ =	sdelay $0x1  }
0xa2: {  	s23 =	simm.s32 $0x1B8B  }
0xa3: {  	_ =	swait.ge [sflag:s23], $0x1  }
0xa4: {  	[sflag:s23] =	ssyncset.done $0x0  }
0xa5: {  	s25 =	simm.s32 $0x1B8E;
	s24 =	sld [smem:$0x3FFE];
	[sflag:s23] =	ssyncadd.s32 $0xFFFFFFFF  }
0xa6: {  	s26 =	simm.s32 $execute0_lowered;
	[smem:$0x3FD2] =	sst s25  }
0xa7: {  	s6 =	sshll.u32 s26, $0x1;
	_ =	strace $0x80000046;
	[dreg:$0x1] =	wrdreg $0xFFFFFFFF  }
0xa8: {  	s28 =	simm.s32 $_size_execute0_lowered;
	s4 =	sadd.s32 s4, s6;
	[dreg:$0x0] =	wrdreg $0x0  }
0xa9: {  	s6 =	sshll.u32 s28, $0x1;
	[dreg:$0x2] =	wrdreg s4  }
0xaa: {  	[dreg:$0x3] =	wrdreg s6  }
0xab: {  	[dreg:$0x4] =	wrdreg $0xC0  }
0xac: {  	_ =	task [dreg:s8], $0x5FFFF  }
0xad: {  	[dreg:$0x1] =	wrdreg $0xFFFFFFFF  }
0xae: {  	[dreg:$0x0] =	wrdreg $0x60  }
0xaf: {  	[dreg:$0x2] =	wrdreg s2  }
0xb0: {  	[dreg:$0x3] =	wrdreg s24  }
0xb1: {  	[dreg:$0x4] =	wrdreg s18  }
0xb2: {  	[dreg:$0x5] =	wrdreg $0x0  }
0xb3: {  	[dreg:$0x6] =	wrdreg $0x9  }
0xb4: {  	_ =	task.clear_ibuf [dreg:s8], $0x7FFFF;
	_ =	strace $0x90000046  }
0xb5: {  	s29 =	simm.s32 $0x9;
	_ =	strace $0x80000048  }
0xb6: {  	_ =	swait.ge [sflag:s29], $0x1  }
0xb7: {  	[sflag:s29] =	ssyncadd.s32 $0xFFFFFFFF  }
0xb8: {  	_ =	strace $0x90000048  }
0xb9: {  	_ =	sfence  }
0xba: {  	s30 =	sld [smem:$0x0];
	_ =	sdelay $0x2  }
0xbb: {  	s31 =	sshll.u32 s1, $0xD;
	s1 =	sshrl.u32 s1, $0x2  }
0xbc: {  	s3 =	sand.u32 $0x4000, s31;
	s1 =	sadd.s32 s1, s30  }
0xbd: {  	s0 =	sor.u32 s3, s0;
	s1 =	sshll.u32 s1, $0x11  }
0xbe: {  	s0 =	sor.u32 s1, s0  }
0xbf: {  	s0 =	sadd.s32 $0x8F2B, s0  }
0xc0: {  	[sflag:s0] =	ssyncadd.remote.s32 $0x1  }
0xc1: {  	_ =	sfence.sel $0xFFFF  }
0xc2: {  	[dreg:$0x0] =	wrdreg $0xFFFFFFFF;
	(pc) =	sbr.abs _section_cstart, $3  }
0xc3: {  	[dreg:$0x1] =	wrdreg $0xFFFFFFFF  }
0xc4: {  	_ =	task.clear_ibuf [dreg:s8], $0x2FFFF;
	_ =	strace $0x9FFFFFFF  }
0xc5: {  	(tm) =	ssettm $0x7FFFFFFF  }
tec
execute0_lowered:
.L_overlay_start_1:
0x0: {  	(tag) =	ssettag $0x1  }
0x1: {  	s0 =	rddreg [dreg:$0x0]  }
0x2: {  	s1 =	rddreg [dreg:$0x1]  }
0x3: {  	s2 =	srdreg.scid;
	s5 =	rddreg [dreg:$0x2]  }
0x4: {  	s3 =	rddreg [dreg:$0x3];
	s16 =	stileid.u32;
	s4 =	simm.s32 $0x0  }
0x5: {  	s28 =	simm.s32 $0x1F900;
	s29 =	simm.s32 $0x1F980;
	s30 =	simm.s32 $0x1FA00  }
0x6: {  	s31 =	simm.s32 $0x1FA80;
	s2 =	sand.u32 $0x1, s2;
	s22 =	smul.u32 $0x4E000, s16  }
0x7: {  	[smem:$0x7FF] =	sst s4;
	s7 =	sadd.s32 $0x600, s1;
	s24 =	smul.u32 $0x2710, s16  }
0x8: {  	s1 =	sadd.s32 $0xA400, s1;
	s14 =	smul.u32 $0x2700, s16;
	p0 =	sne.s32 s16, $0xF  }
0x9: {  	s6 =	sshll.u32 s2, $0x4;
	_ =	strace $0x80000047;
	s12 =	smul.u32 $0x27100, s2  }
0xa: {  	s8 =	ssub.s32 $0x2, s2;
	s2 =	smul.u32 $0x138800, s2;
	s6 =	sor.u32 s16, s6  }
0xb: {  	s9 =	sshrl.u32 s8, $0x1;
	s26 =	sadd.s32 s0, s14;
	s16 =	simm.s32 $0x4  }
0xc: {  	s6 =	smul.u32 $0x2710, s6;
	s8 =	ssub.s32 s8, s9;
	s9 =	sshrl.u32 s22, $0x2  }
0xd: {  	s25 =	sadd.s32 s24, s12;
	[dreg:$0x11] =	wrdreg s26;
	s12 =	sadd.s32 s14, s12  }
0xe: {  	s2 =	sshrl.u32 s2, $0x3;
	s9 =	sadd.s32 s9, s3;
	s15 =	sadd.s32 $0x400, s25  }
0xf: {  	s6 =	sshrl.u32 s6, $0x3;
	[dreg:$0x10] =	wrdreg s9;
	s9 =	sadd.s32 $0x300, s25  }
0x10: {  	s17 =	sadd.s32 s7, s6;
	s10 =	sadd.s32 $0x10, s6;
	s11 =	sadd.s32 $0x20, s6  }
0x11: {  	s18 =	sadd.s32 s5, s6;
	s19 =	sadd.s32 $0x30, s6;
	[dreg:$0xb] =	wrdreg s17  }
0x12: {  	s9 =	sshrl.u32 s9, $0x3;
	s13 =	sadd.s32 s7, s10;
	[dreg:$0xe] =	wrdreg s18  }
0x13: {  	s23 =	sadd.s32 s7, s11;
	s10 =	sadd.s32 s5, s10;
	[dreg:$0xc] =	wrdreg s13  }
0x14: {  	s21 =	sadd.s32 s7, s19;
	s11 =	sadd.s32 s5, s11;
	[dreg:$0xd] =	wrdreg s23  }
0x15: {  	s26 =	sadd.s32 s9, s5;
	[dreg:$0xf] =	wrdreg s10;
	s13 =	sadd.s32 $0x138000, s3  }
0x16: {  	s10 =	sshrl.u32 s15, $0x3;
	s15 =	sadd.s32 $0x380, s25;
	[dreg:$0x13] =	wrdreg s21  }
0x17: {  	[dreg:$0x14] =	wrdreg s11;
	s23 =	sadd.s32 $0x280, s25;
	s25 =	sadd.s32 $0x40, s6  }
0x18: {  	[dreg:$0x9] =	wrdreg s26;
	s6 =	sadd.s32 $0x4E0, s6;
	s21 =	sadd.s32 s9, s7  }
0x19: {  	s26 =	smax.u32 s8, $0x1;
	s9 =	simm.s32 $0x17880;
	[dreg:$0x12] =	wrdreg s13  }
0x1a: {  	s11 =	simm.s32 $0xA;
	s8 =	simm.s32 $0x9;
	[dreg:$0xa] =	wrdreg s21  }
0x1b: {  	s10 =	sadd.s32 s10, s7;
	s20 =	sshrl.u32 s15, $0x3;
	[dreg:$0x1f] =	wrdreg s26  }
0x1c: {  	s14 =	sadd.s32 s7, s25;
	s15 =	sadd.s32 s5, s19;
	[dreg:$0x5] =	wrdreg s10  }
0x1d: {  	s19 =	sadd.s32 s5, s25;
	s25 =	sadd.s32 $0x4D0, s18;
	[dreg:$0x15] =	wrdreg s14  }
0x1e: {  	s26 =	simm.s32 $0x1F880;
	s13 =	simm.s32 $0x1B880;
	[dreg:$0x16] =	wrdreg s15  }
0x1f: {  	s18 =	simm.s32 $0xC;
	s22 =	sadd.s32 s20, s5;
	[dreg:$0x17] =	wrdreg s19  }
0x20: {  	s24 =	sadd.s32 s20, s7;
	s10 =	sshrl.u32 s23, $0x3;
	[dreg:$0x1d] =	wrdreg s25  }
0x21: {  	s20 =	sadd.s32 s7, s6;
	s23 =	sadd.s32 s1, s12;
	[dreg:$0x6] =	wrdreg s22  }
0x22: {  	s1 =	sadd.s32 s1, s2;
	s2 =	simm.s32 $0x80;
	[dreg:$0x7] =	wrdreg s24  }
0x23: {  	s7 =	simm.s32 $0x8;
	s12 =	simm.s32 $0x1FB00;
	[dreg:$0x19] =	wrdreg s20  }
0x24: {  	s14 =	simm.s32 $0x2;
	s10 =	sadd.s32 s10, s5;
	[dreg:$0x1b] =	wrdreg s23  }
0x25: {  	s15 =	simm.s32 $0xB;
	s5 =	sadd.s32 s5, s6;
	[dreg:$0x8] =	wrdreg s10  }
0x26: {  	s19 =	simm.s32 $0x5;
	s22 =	sadd.s32 $0x27000, s0;
	[dreg:$0x18] =	wrdreg s5  }
0x27: {  	s24 =	sadd.s32 $0x50, s17;
	s1 =	sadd.s32 $0x27000, s1;
	[dreg:$0x1a] =	wrdreg s22  }
0x28: {  	s6 =	simm.s32 $0x13880;
	s17 =	simm.s32 $0x3;
	[dreg:$0x1c] =	wrdreg s24  }
0x29: {  	s20 =	simm.s32 $0x6;
	s23 =	simm.s32 $0x0;
	[dreg:$0x1e] =	wrdreg s1  }
0x2a: {  	s1 =	simm.s32 $0x7;
	s10 =	simm.s32 $0xD;
	s5 =	simm.s32 $0x1  }
.LBB2_1:
0x2b: {  	s21 =	rddreg [dreg:$0xb]  }
0x2c: {  	[tilespmem:s26], [sflag:$0x7] =	stream.linear.gather [hbm4b:s21+s4], $0x80, $0x38;
	[tilespmem:$0x1FC00] =	vst v63  }
0x2d: {  	s24 =	rddreg [dreg:$0xc]  }
0x2e: {  	[tilespmem:s28], [sflag:$0x8] =	stream.linear.gather [hbm4b:s24+s4], $0x80, $0x38;
	[tilespmem:$0x1FC00] =	vst v63  }
0x2f: {  	s25 =	rddreg [dreg:$0xd]  }
0x30: {  	[tilespmem:s29], [sflag:$0x9] =	stream.linear.gather [hbm4b:s25+s4], $0x80, $0x38;
	[tilespmem:$0x1FC00] =	vst v63  }
0x31: {  	s22 =	rddreg [dreg:$0xe]  }
0x32: {  	[tilespmem:s30], [sflag:$0xA] =	stream.linear.gather [hbm4b:s22+s4], $0x80, $0x38;
	[tilespmem:$0x1FC00] =	vst v63  }
0x33: {  	s24 =	rddreg [dreg:$0xf]  }
0x34: {  	[tilespmem:s31], [sflag:$0xB] =	stream.linear.gather [hbm4b:s24+s4], $0x80, $0x38;
	[tilespmem:$0x1FC00] =	vst v63  }
0x35: {  	_ =	swait.ge [sflag:s1], $0x80  }
0x36: {  	[sflag:s1] =	ssyncset.done $0x0  }
0x37: {  	[sflag:s1] =	ssyncadd.s32 $0xFFFFFF80  }
0x38: {  	[tilespmem:s6], [sflag:$0x1] =	stream.indirect.gather [hbm4b:s0+s2], $0x80, s26, s2, $0xb8;
	[tilespmem:$0x1FC00] =	vst v63  }
0x39: {  	s25 =	stileid.u32;
	_ =	swait.ge [sflag:s7], $0x80  }
0x3a: {  	s21 =	sshll.u32 s25, $0x6;
	[sflag:s7] =	ssyncset.done $0x0;
	s22 =	rddreg [dreg:$0x10]  }
0x3b: {  	s25 =	rddreg [dreg:$0x11];
	[sflag:s7] =	ssyncadd.s32 $0xFFFFFF80;
	s22 =	sshrl.u32 s22, $0x3  }
0x3c: {  	[tilespmem:s9], [sflag:$0x2] =	stream.indirect.gather [hbm4b:s0+s2], $0x80, s28, s2, $0xb8;
	[tilespmem:$0x1FC00] =	vst v63  }
0x3d: {  	s24 =	sor.u32 $0x1C0D, s21;
	[smem:$0x7FC] =	sst s22  }
0x3e: {  	[spmem:s22], [sflag:s24] =	dma.local [hbm:s25], $0x2700  }
0x3f: {  	_ =	swait.ge [sflag:s10], $0x2700  }
0x40: {  	s21 =	rddreg [dreg:$0x12]  }
0x41: {  	[sflag:s10] =	ssyncset.done $0x0;
	s22 =	sshrl.u32 @!p0 s21, $0x3;
	s21 =	rddreg [dreg:$0x1a]  }
0x42: {  	[sflag:s10] =	ssyncadd.s32 $0xFFFFD900;
	[smem:$0x7FD] =	sst s22  }
0x43: {  	[spmem:s22], [sflag:s24] =	dma.local @!p0 [hbm:s21], $0x100  }
0x44: {  	s22 =	simm.s32 @!p0 $0xD  }
0x45: {  	_ =	swait.ge @!p0 [sflag:s22], $0x100  }
0x46: {  	[sflag:s22] =	ssyncset.done @!p0 $0x0  }
0x47: {  	[sflag:s22] =	ssyncadd.s32 @!p0 $0xFFFFFF00  }
0x48: {  	[bflag:$0x0] =	sbarrier.arrive $0xFFFF  }
0x49: {  	_ =	swait.ge [sflag:s5], $0x4000  }
0x4a: {  	[sflag:s5] =	ssyncset.done $0x0  }
0x4b: {  	s22 =	rddreg [dreg:$0x13];
	[sflag:s5] =	ssyncadd.s32 $0xFFFFC000  }
0x4c: {  	[tilespmem:s26], [sflag:$0x7] =	stream.linear.gather [hbm4b:s22+s4], $0x80, $0x38;
	[tilespmem:$0x1FC00] =	vst v63  }
0x4d: {  	_ =	swait.ge [sflag:s11], $0x80  }
0x4e: {  	[sflag:s11] =	ssyncset.done $0x0  }
0x4f: {  	[sflag:s11] =	ssyncadd.s32 $0xFFFFFF80  }
0x50: {  	[spmem:s3] =	stream.indirect.scatter.add.f32 [tilespmem:s6], [sflag:$0x4], $0x80, s30, s2, $0xb8;
	[tilespmem:$0x1FC00] =	vst v63  }
0x51: {  	s25 =	rddreg [dreg:$0x14]  }
0x52: {  	[tilespmem:s12], [sflag:$0xC] =	stream.linear.gather [hbm4b:s25+s4], $0x80, $0x38;
	[tilespmem:$0x1FC00] =	vst v63  }
0x53: {  	_ =	swait.ge [sflag:s8], $0x80  }
0x54: {  	[sflag:s8] =	ssyncset.done $0x0  }
0x55: {  	[sflag:s8] =	ssyncadd.s32 $0xFFFFFF80  }
0x56: {  	[tilespmem:s13], [sflag:$0x3] =	stream.indirect.gather [hbm4b:s0+s2], $0x80, s29, s2, $0xb8;
	[tilespmem:$0x1FC00] =	vst v63  }
0x57: {  	_ =	swait.ge [sflag:s14], $0x4000  }
0x58: {  	[sflag:s14] =	ssyncset.done $0x0  }
0x59: {  	s22 =	rddreg [dreg:$0x15];
	[sflag:s14] =	ssyncadd.s32 $0xFFFFC000  }
0x5a: {  	[tilespmem:s28], [sflag:$0x8] =	stream.linear.gather [hbm4b:s22+s4], $0x80, $0x38;
	[tilespmem:$0x1FC00] =	vst v63  }
0x5b: {  	_ =	swait.ge [sflag:s15], $0x80  }
0x5c: {  	[sflag:s15] =	ssyncset.done $0x0  }
0x5d: {  	[sflag:s15] =	ssyncadd.s32 $0xFFFFFF80  }
0x5e: {  	[spmem:s3] =	stream.indirect.scatter.add.f32 [tilespmem:s9], [sflag:$0x5], $0x80, s31, s2, $0xb8;
	[tilespmem:$0x1FC00] =	vst v63  }
0x5f: {  	_ =	swait.ge [sflag:s16], $0x4000  }
0x60: {  	[sflag:s16] =	ssyncset.done $0x0  }
0x61: {  	s25 =	rddreg [dreg:$0x16];
	[sflag:s16] =	ssyncadd.s32 $0xFFFFC000  }
0x62: {  	[tilespmem:s30], [sflag:$0xA] =	stream.linear.gather [hbm4b:s25+s4], $0x80, $0x38;
	[tilespmem:$0x1FC00] =	vst v63  }
0x63: {  	_ =	swait.ge [sflag:s1], $0x80  }
0x64: {  	[sflag:s1] =	ssyncset.done $0x0  }
0x65: {  	[sflag:s1] =	ssyncadd.s32 $0xFFFFFF80  }
0x66: {  	[tilespmem:s6], [sflag:$0x1] =	stream.indirect.gather [hbm4b:s0+s2], $0x80, s26, s2, $0xb8;
	[tilespmem:$0x1FC00] =	vst v63  }
0x67: {  	_ =	swait.ge [sflag:s17], $0x4000  }
0x68: {  	[sflag:s17] =	ssyncset.done $0x0  }
0x69: {  	s22 =	rddreg [dreg:$0x1c];
	[sflag:s17] =	ssyncadd.s32 $0xFFFFC000  }
0x6a: {  	[tilespmem:s29], [sflag:$0x9] =	stream.linear.gather [hbm4b:s22+s4], $0x80, $0x38;
	[tilespmem:$0x1FC00] =	vst v63  }
0x6b: {  	_ =	swait.ge [sflag:s18], $0x80  }
0x6c: {  	[sflag:s18] =	ssyncset.done $0x0  }
0x6d: {  	[sflag:s18] =	ssyncadd.s32 $0xFFFFFF80  }
0x6e: {  	[spmem:s3] =	stream.indirect.scatter.add.f32 [tilespmem:s13], [sflag:$0x6], $0x80, s12, s2, $0xb8;
	[tilespmem:$0x1FC00] =	vst v63  }
0x6f: {  	_ =	swait.ge [sflag:s19], $0x4000  }
0x70: {  	[sflag:s19] =	ssyncset.done $0x0  }
0x71: {  	s25 =	rddreg [dreg:$0x17];
	[sflag:s19] =	ssyncadd.s32 $0xFFFFC000  }
0x72: {  	[tilespmem:s31], [sflag:$0xB] =	stream.linear.gather [hbm4b:s25+s4], $0x80, $0x38;
	[tilespmem:$0x1FC00] =	vst v63  }
0x73: {  	_ =	swait.ge [sflag:s7], $0x80  }
0x74: {  	[sflag:s7] =	ssyncset.done $0x0  }
0x75: {  	[sflag:s7] =	ssyncadd.s32 $0xFFFFFF80  }
0x76: {  	[tilespmem:s9], [sflag:$0x2] =	stream.indirect.gather [hbm4b:s0+s2], $0x80, s28, s2, $0xb8;
	[tilespmem:$0x1FC00] =	vst v63  }
0x77: {  	_ =	swait.ge [sflag:s5], $0x4000  }
0x78: {  	s21 =	rddreg [dreg:$0xa];
	[sflag:s5] =	ssyncset.done $0x0  }
0x79: {  	[sflag:s5] =	ssyncadd.s32 $0xFFFFC000;
	s22 =	sadd.s32 $0x0, s21  }
0x7a: {  	[tilespmem:s26], [sflag:$0x7] =	stream.linear.gather [hbm4b:s22+s4], $0x80, $0x38;
	[tilespmem:$0x1FC00] =	vst v63  }
0x7b: {  	_ =	swait.ge [sflag:s11], $0x80  }
0x7c: {  	[sflag:s11] =	ssyncset.done $0x0  }
0x7d: {  	[sflag:s11] =	ssyncadd.s32 $0xFFFFFF80  }
0x7e: {  	[spmem:s3] =	stream.indirect.scatter.add.f32 [tilespmem:s6], [sflag:$0x4], $0x80, s30, s2, $0xb8;
	[tilespmem:$0x1FC00] =	vst v63  }
0x7f: {  	_ =	swait.ge [sflag:s20], $0x4000  }
0x80: {  	s25 =	rddreg [dreg:$0x8];
	[sflag:s20] =	ssyncset.done $0x0  }
0x81: {  	[sflag:s20] =	ssyncadd.s32 $0xFFFFC000;
	s22 =	sadd.s32 $0x0, s25  }
0x82: {  	[tilespmem:s12], [sflag:$0xC] =	stream.linear.gather [hbm4b:s22+s4], $0x80, $0x38;
	[tilespmem:$0x1FC00] =	vst v63  }
0x83: {  	_ =	swait.ge [sflag:s8], $0x80  }
0x84: {  	[sflag:s8] =	ssyncset.done $0x0  }
0x85: {  	[sflag:s8] =	ssyncadd.s32 $0xFFFFFF80  }
0x86: {  	[tilespmem:s13], [sflag:$0x3] =	stream.indirect.gather [hbm4b:s0+s2], $0x80, s29, s2, $0xb8;
	[tilespmem:$0x1FC00] =	vst v63  }
0x87: {  	_ =	swait.ge [sflag:s14], $0x4000  }
0x88: {  	s21 =	rddreg [dreg:$0x7];
	[sflag:s14] =	ssyncset.done $0x0  }
0x89: {  	[sflag:s14] =	ssyncadd.s32 $0xFFFFC000;
	s22 =	sadd.s32 $0x0, s21  }
0x8a: {  	[tilespmem:s28], [sflag:$0x8] =	stream.linear.gather [hbm4b:s22+s4], $0x80, $0x38;
	[tilespmem:$0x1FC00] =	vst v63  }
0x8b: {  	_ =	swait.ge [sflag:s15], $0x80  }
0x8c: {  	[sflag:s15] =	ssyncset.done $0x0  }
0x8d: {  	[sflag:s15] =	ssyncadd.s32 $0xFFFFFF80  }
0x8e: {  	[spmem:s3] =	stream.indirect.scatter.add.f32 [tilespmem:s9], [sflag:$0x5], $0x80, s31, s2, $0xb8;
	[tilespmem:$0x1FC00] =	vst v63  }
0x8f: {  	_ =	swait.ge [sflag:s16], $0x4000  }
0x90: {  	s25 =	rddreg [dreg:$0x9];
	[sflag:s16] =	ssyncset.done $0x0  }
0x91: {  	[sflag:s16] =	ssyncadd.s32 $0xFFFFC000;
	s22 =	sadd.s32 $0x0, s25  }
0x92: {  	[tilespmem:s30], [sflag:$0xA] =	stream.linear.gather [hbm4b:s22+s4], $0x80, $0x38;
	[tilespmem:$0x1FC00] =	vst v63  }
0x93: {  	_ =	swait.ge [sflag:s1], $0x80  }
0x94: {  	[sflag:s1] =	ssyncset.done $0x0  }
0x95: {  	[sflag:s1] =	ssyncadd.s32 $0xFFFFFF80  }
0x96: {  	[tilespmem:s6], [sflag:$0x1] =	stream.indirect.gather [hbm4b:s0+s2], $0x80, s26, s2, $0xb8;
	[tilespmem:$0x1FC00] =	vst v63  }
0x97: {  	_ =	swait.ge [sflag:s17], $0x4000  }
0x98: {  	s21 =	rddreg [dreg:$0x5];
	[sflag:s17] =	ssyncset.done $0x0  }
0x99: {  	[sflag:s17] =	ssyncadd.s32 $0xFFFFC000;
	s22 =	sadd.s32 $0x0, s21  }
0x9a: {  	[tilespmem:s29], [sflag:$0x9] =	stream.linear.gather [hbm4b:s22+s4], $0x80, $0x38;
	[tilespmem:$0x1FC00] =	vst v63  }
0x9b: {  	_ =	swait.ge [sflag:s18], $0x80  }
0x9c: {  	[sflag:s18] =	ssyncset.done $0x0  }
0x9d: {  	[sflag:s18] =	ssyncadd.s32 $0xFFFFFF80  }
0x9e: {  	[spmem:s3] =	stream.indirect.scatter.add.f32 [tilespmem:s13], [sflag:$0x6], $0x80, s12, s2, $0xb8;
	[tilespmem:$0x1FC00] =	vst v63  }
0x9f: {  	_ =	swait.ge [sflag:s19], $0x4000  }
0xa0: {  	s25 =	rddreg [dreg:$0x6];
	[sflag:s19] =	ssyncset.done $0x0  }
0xa1: {  	[sflag:s19] =	ssyncadd.s32 $0xFFFFC000;
	s22 =	sadd.s32 $0x0, s25  }
0xa2: {  	[tilespmem:s31], [sflag:$0xB] =	stream.linear.gather [hbm4b:s22+s4], $0x80, $0x38;
	[tilespmem:$0x1FC00] =	vst v63  }
0xa3: {  	_ =	swait.ge [sflag:s7], $0x80  }
0xa4: {  	[sflag:s7] =	ssyncset.done $0x0  }
0xa5: {  	s22 =	simm.s32 $0x30;
	[sflag:s7] =	ssyncadd.s32 $0xFFFFFF80  }
.LBB2_2:
0xa6: {  	[tilespmem:s9], [sflag:$0x2] =	stream.indirect.gather [hbm4b:s0+s2], $0x80, s28, s2, $0xb8;
	[tilespmem:$0x1FC00] =	vst v63  }
0xa7: {  	_ =	swait.ge [sflag:s5], $0x4000  }
0xa8: {  	s25 =	smov.u32 s22;
	s21 =	rddreg [dreg:$0xa];
	[sflag:s5] =	ssyncset.done $0x0  }
0xa9: {  	[sflag:s5] =	ssyncadd.s32 $0xFFFFC000;
	s21 =	sadd.s32 s25, s21  }
0xaa: {  	[tilespmem:s26], [sflag:$0x7] =	stream.linear.gather [hbm4b:s21+s4], $0x80, $0x38;
	[tilespmem:$0x1FC00] =	vst v63  }
0xab: {  	_ =	swait.ge [sflag:s11], $0x80  }
0xac: {  	[sflag:s11] =	ssyncset.done $0x0  }
0xad: {  	[sflag:s11] =	ssyncadd.s32 $0xFFFFFF80  }
0xae: {  	[spmem:s3] =	stream.indirect.scatter.add.f32 [tilespmem:s6], [sflag:$0x4], $0x80, s30, s2, $0xb8;
	[tilespmem:$0x1FC00] =	vst v63  }
0xaf: {  	_ =	swait.ge [sflag:s20], $0x4000  }
0xb0: {  	s21 =	rddreg [dreg:$0x8];
	[sflag:s20] =	ssyncset.done $0x0  }
0xb1: {  	[sflag:s20] =	ssyncadd.s32 $0xFFFFC000;
	s21 =	sadd.s32 s25, s21  }
0xb2: {  	[tilespmem:s12], [sflag:$0xC] =	stream.linear.gather [hbm4b:s21+s4], $0x80, $0x38;
	[tilespmem:$0x1FC00] =	vst v63  }
0xb3: {  	_ =	swait.ge [sflag:s8], $0x80  }
0xb4: {  	[sflag:s8] =	ssyncset.done $0x0  }
0xb5: {  	[sflag:s8] =	ssyncadd.s32 $0xFFFFFF80  }
0xb6: {  	[tilespmem:s13], [sflag:$0x3] =	stream.indirect.gather [hbm4b:s0+s2], $0x80, s29, s2, $0xb8;
	[tilespmem:$0x1FC00] =	vst v63  }
0xb7: {  	_ =	swait.ge [sflag:s14], $0x4000  }
0xb8: {  	s21 =	rddreg [dreg:$0x7];
	[sflag:s14] =	ssyncset.done $0x0  }
0xb9: {  	[sflag:s14] =	ssyncadd.s32 $0xFFFFC000;
	s21 =	sadd.s32 s25, s21  }
0xba: {  	[tilespmem:s28], [sflag:$0x8] =	stream.linear.gather [hbm4b:s21+s4], $0x80, $0x38;
	[tilespmem:$0x1FC00] =	vst v63  }
0xbb: {  	_ =	swait.ge [sflag:s15], $0x80  }
0xbc: {  	[sflag:s15] =	ssyncset.done $0x0  }
0xbd: {  	[sflag:s15] =	ssyncadd.s32 $0xFFFFFF80  }
0xbe: {  	[spmem:s3] =	stream.indirect.scatter.add.f32 [tilespmem:s9], [sflag:$0x5], $0x80, s31, s2, $0xb8;
	[tilespmem:$0x1FC00] =	vst v63  }
0xbf: {  	_ =	swait.ge [sflag:s16], $0x4000  }
0xc0: {  	s21 =	rddreg [dreg:$0x9];
	[sflag:s16] =	ssyncset.done $0x0  }
0xc1: {  	[sflag:s16] =	ssyncadd.s32 $0xFFFFC000;
	s21 =	sadd.s32 s25, s21  }
0xc2: {  	[tilespmem:s30], [sflag:$0xA] =	stream.linear.gather [hbm4b:s21+s4], $0x80, $0x38;
	[tilespmem:$0x1FC00] =	vst v63  }
0xc3: {  	_ =	swait.ge [sflag:s1], $0x80  }
0xc4: {  	[sflag:s1] =	ssyncset.done $0x0  }
0xc5: {  	[sflag:s1] =	ssyncadd.s32 $0xFFFFFF80  }
0xc6: {  	[tilespmem:s6], [sflag:$0x1] =	stream.indirect.gather [hbm4b:s0+s2], $0x80, s26, s2, $0xb8;
	[tilespmem:$0x1FC00] =	vst v63  }
0xc7: {  	_ =	swait.ge [sflag:s17], $0x4000  }
0xc8: {  	s21 =	rddreg [dreg:$0x5];
	[sflag:s17] =	ssyncset.done $0x0  }
0xc9: {  	[sflag:s17] =	ssyncadd.s32 $0xFFFFC000;
	s21 =	sadd.s32 s25, s21  }
0xca: {  	[tilespmem:s29], [sflag:$0x9] =	stream.linear.gather [hbm4b:s21+s4], $0x80, $0x38;
	[tilespmem:$0x1FC00] =	vst v63  }
0xcb: {  	_ =	swait.ge [sflag:s18], $0x80  }
0xcc: {  	[sflag:s18] =	ssyncset.done $0x0  }
0xcd: {  	[sflag:s18] =	ssyncadd.s32 $0xFFFFFF80  }
0xce: {  	[spmem:s3] =	stream.indirect.scatter.add.f32 [tilespmem:s13], [sflag:$0x6], $0x80, s12, s2, $0xb8;
	[tilespmem:$0x1FC00] =	vst v63  }
0xcf: {  	_ =	swait.ge [sflag:s19], $0x4000  }
0xd0: {  	p1 =	sne.s32 s22, $0x450;
	s21 =	rddreg [dreg:$0x6];
	[sflag:s19] =	ssyncset.done $0x0  }
.Ltmp0:
0xd1: {  	[sflag:s19] =	ssyncadd.s32 $0xFFFFC000;
	s21 =	sadd.s32 s25, s21;
	(pc) =	sbr.rel @p1 .LBB2_2-.Ltmp0, $4  }
0xd2: {  	[tilespmem:s31], [sflag:$0xB] =	stream.linear.gather [hbm4b:s21+s4], $0x80, $0x38;
	[tilespmem:$0x1FC00] =	vst v63  }
0xd3: {  	_ =	swait.ge [sflag:s7], $0x80  }
0xd4: {  	[sflag:s7] =	ssyncset.done $0x0  }
0xd5: {  	s22 =	sadd.s32 $0x30, s22;
	[sflag:s7] =	ssyncadd.s32 $0xFFFFFF80  }
0xd6: {  	[tilespmem:s9], [sflag:$0x2] =	stream.indirect.gather [hbm4b:s0+s2], $0x80, s28, s2, $0xb8;
	[tilespmem:$0x1FC00] =	vst v63  }
0xd7: {  	_ =	swait.ge [sflag:s5], $0x4000  }
0xd8: {  	[sflag:s5] =	ssyncset.done $0x0  }
0xd9: {  	[sflag:s5] =	ssyncadd.s32 $0xFFFFC000  }
0xda: {  	_ =	swait.ge [sflag:s11], $0x80  }
0xdb: {  	[sflag:s11] =	ssyncset.done $0x0  }
0xdc: {  	[sflag:s11] =	ssyncadd.s32 $0xFFFFFF80  }
0xdd: {  	[spmem:s3] =	stream.indirect.scatter.add.f32 [tilespmem:s6], [sflag:$0x4], $0x80, s30, s2, $0xb8;
	[tilespmem:$0x1FC00] =	vst v63  }
0xde: {  	_ =	swait.ge [sflag:s20], $0x4000  }
0xdf: {  	[sflag:s20] =	ssyncset.done $0x0  }
0xe0: {  	s21 =	rddreg [dreg:$0x1d];
	[sflag:s20] =	ssyncadd.s32 $0xFFFFC000  }
0xe1: {  	[tilespmem:s12], [sflag:$0xC] =	stream.linear.gather [hbm4b:s21+s4], $0x80, $0x38;
	[tilespmem:$0x1FC00] =	vst v63  }
0xe2: {  	_ =	swait.ge [sflag:s8], $0x80  }
0xe3: {  	[sflag:s8] =	ssyncset.done $0x0  }
0xe4: {  	[sflag:s8] =	ssyncadd.s32 $0xFFFFFF80  }
0xe5: {  	[tilespmem:s13], [sflag:$0x3] =	stream.indirect.gather [hbm4b:s0+s2], $0x80, s29, s2, $0xb8;
	[tilespmem:$0x1FC00] =	vst v63  }
0xe6: {  	_ =	swait.ge [sflag:s14], $0x4000  }
0xe7: {  	[sflag:s14] =	ssyncset.done $0x0  }
0xe8: {  	[sflag:s14] =	ssyncadd.s32 $0xFFFFC000  }
0xe9: {  	_ =	swait.ge [sflag:s15], $0x80  }
0xea: {  	[sflag:s15] =	ssyncset.done $0x0  }
0xeb: {  	[sflag:s15] =	ssyncadd.s32 $0xFFFFFF80  }
0xec: {  	[spmem:s3] =	stream.indirect.scatter.add.f32 [tilespmem:s9], [sflag:$0x5], $0x80, s31, s2, $0xb8;
	[tilespmem:$0x1FC00] =	vst v63  }
0xed: {  	_ =	swait.ge [sflag:s16], $0x4000  }
0xee: {  	[sflag:s16] =	ssyncset.done $0x0  }
0xef: {  	[sflag:s16] =	ssyncadd.s32 $0xFFFFC000  }
0xf0: {  	_ =	swait.ge [sflag:s17], $0x4000  }
0xf1: {  	[sflag:s17] =	ssyncset.done $0x0  }
0xf2: {  	[sflag:s17] =	ssyncadd.s32 $0xFFFFC000  }
0xf3: {  	_ =	swait.ge [sflag:s18], $0x80  }
0xf4: {  	[sflag:s18] =	ssyncset.done $0x0  }
0xf5: {  	[sflag:s18] =	ssyncadd.s32 $0xFFFFFF80  }
0xf6: {  	[spmem:s3] =	stream.indirect.scatter.add.f32 [tilespmem:s13], [sflag:$0x6], $0x80, s12, s2, $0xb8;
	[tilespmem:$0x1FC00] =	vst v63  }
0xf7: {  	_ =	swait.ge [sflag:s19], $0x4000  }
0xf8: {  	[sflag:s19] =	ssyncset.done $0x0  }
0xf9: {  	s22 =	rddreg [dreg:$0x19];
	[sflag:s19] =	ssyncadd.s32 $0xFFFFC000  }
0xfa: {  	[tilespmem:s26], [sflag:$0xD] =	stream.linear.gather [hbm4b:s22+s4], $0x10, $0x38;
	[tilespmem:$0x1FC00] =	vst v63  }
0xfb: {  	_ =	swait.ge [sflag:s10], $0x10  }
0xfc: {  	[sflag:s10] =	ssyncset.done $0x0  }
0xfd: {  	s22 =	simm.s32 $0x1FB80;
	s25 =	rddreg [dreg:$0x18];
	[sflag:s10] =	ssyncadd.s32 $0xFFFFFFF0  }
0xfe: {  	[tilespmem:s22], [sflag:$0xD] =	stream.linear.gather [hbm4b:s25+s4], $0x10, $0x38;
	[tilespmem:$0x1FC00] =	vst v63  }
0xff: {  	_ =	swait.ge [sflag:s10], $0x10  }
0x100: {  	[sflag:s10] =	ssyncset.done $0x0  }
0x101: {  	s25 =	simm.s32 $0x10;
	[sflag:s10] =	ssyncadd.s32 $0xFFFFFFF0  }
0x102: {  	[tilespmem:s6], [sflag:$0x1] =	stream.indirect.gather [hbm4b:s0+s25], $0x80, s26, s25, $0xb8;
	[tilespmem:$0x1FC00] =	vst v63  }
0x103: {  	_ =	swait.ge [sflag:s5], $0x800  }
0x104: {  	[sflag:s5] =	ssyncset.done $0x0  }
0x105: {  	[sflag:s5] =	ssyncadd.s32 $0xFFFFF800  }
0x106: {  	[spmem:s3] =	stream.indirect.scatter.add.f32 [tilespmem:s6], [sflag:$0x4], $0x80, s22, s25, $0xb8;
	[tilespmem:$0x1FC00] =	vst v63  }
0x107: {  	_ =	swait.ge [sflag:s20], $0x4000  }
0x108: {  	[sflag:s20] =	ssyncset.done $0x0  }
0x109: {  	[sflag:s20] =	ssyncadd.s32 $0xFFFFC000  }
0x10a: {  	_ =	swait.ge [sflag:s16], $0x800  }
0x10b: {  	[sflag:s16] =	ssyncset.done $0x0  }
0x10c: {  	[sflag:s16] =	ssyncadd.s32 $0xFFFFF800  }
0x10d: {  	[bflag:$0x0] =	sbarrier.arrive $0xFFFF  }
0x10e: {  	s25 =	sld [smem:$0x7FC];
	_ =	sdelay $0x1  }
0x10f: {  	s22 =	rddreg [dreg:$0x1b]  }
0x110: {  	[hbm:s22], [sflag:s24] =	dma.local [spmem:s25], $0x2700  }
0x111: {  	_ =	swait.ge [sflag:s10], $0x2700  }
0x112: {  	s22 =	sld [smem:$0x7FD]  }
0x113: {  	[sflag:s10] =	ssyncset.done $0x0  }
0x114: {  	s21 =	rddreg [dreg:$0x1e];
	[sflag:s10] =	ssyncadd.s32 $0xFFFFD900  }
0x115: {  	[hbm:s21], [sflag:s24] =	dma.local @!p0 [spmem:s22], $0x100  }
0x116: {  	s21 =	simm.s32 @!p0 $0xD  }
0x117: {  	_ =	swait.ge @!p0 [sflag:s21], $0x100  }
0x118: {  	s23 =	sadd.s32 $0x1, s23;
	s25 =	rddreg [dreg:$0x1f]  }
0x119: {  	p1 =	sne.s32 s23, s25  }
.Ltmp1:
0x11a: {  	_ = 	snop;
	(pc) =	sbr.rel @p1 .LBB2_1-.Ltmp1, $3  }
0x11b: {  	_ =	sdelay $0x1  }
0x11c: {  	[sflag:s21] =	ssyncset.done @!p0 $0x0  }
0x11d: {  	[sflag:s21] =	ssyncadd.s32 @!p0 $0xFFFFFF00  }
0x11e: {  	_ =	sfence.sel $0x180000  }
0x11f: {  	[bflag:$0x0] =	sbarrier.arrive $0xFFFF  }
0x120: {  	_ =	strace $0x90000047  }
0x121: {  	s0 =	stileid.u32;
	[bflag:$0x2] =	sbarrier.arrive $0xFFFF  }
0x122: {  	p0 =	sne.s32 s0, $0x0;
	s0 =	rddreg [dreg:$0x4]  }
0x123: {  	s0 =	sadd.s32 @!p0 $0x100000, s0  }
0x124: {  	[sflag:s0] =	ssyncadd.tile.s32 @!p0 $0x1;
	_ =	shalt  }
.Lfunc_end2:
_tile_overlayer_lowered:
.L_overlay_start_2:
0x125: {  	(tag) =	ssettag $0x2  }
0x126: {  	s0 =	rddreg [dreg:$0x0];
	s2 =	stileid.u32  }
0x127: {  	s1 =	rddreg [dreg:$0x1];
	p0 =	sne.s32 s2, $0x0  }
0x128: {  	s3 =	rddreg [dreg:$0x2];
	[bflag:$0x3] =	sbarrier.arrive $0xFFFF;
	s2 =	simm.s32 @!p0 $0x1C0D  }
0x129: {  	[timem:s3], [sflag:s2] =	dma.local @!p0 [hbm:s0], s1  }
0x12a: {  	s0 =	simm.s32 @!p0 $0xD  }
0x12b: {  	_ =	swait.ge @!p0 [sflag:s0], s1  }
0x12c: {  	s1 =	ssub.s32 @!p0 $0x0, s1;
	[sflag:s0] =	ssyncset.done @!p0 $0x0  }
0x12d: {  	[sflag:s0] =	ssyncadd.s32 @!p0 s1  }
0x12e: {  	[bflag:$0x3] =	sbarrier.arrive $0xFFFF  }
0x12f: {  	_ =	shalt  }

</sc_bundles>
